<compile_context>
chip_gen: v7x
topology: tpu7x:2x2x1
jax: 0.10.2.dev20260603
libtpu: 0.0.44.dev20260713+nightly
codegen_flags: <defaults>
</compile_context>

<pallas_src>
import functools

import jax
import jax.numpy as jnp
from jax import lax
from jax.experimental import pallas as pl
from jax.experimental.pallas import tpu as pltpu
from jax.experimental.pallas import tpu_sc as plsc

N = 10000
E = 320000
D = 128

NC = 2
NS = 16
NW = NC * NS
EPT = E // NW
B = 96
NFULL = EPT // B
REM = EPT - NFULL * B
NP = 10240
SLICE = NP // NS
ROWS_PT = NP // NS
ZR = 128
WIN = 10112

_f32 = jnp.float32

@functools.lru_cache(maxsize=None)
def _sc_mesh():
    return plsc.VectorSubcoreMesh(
        core_axis_name="c", subcore_axis_name="s",
        num_cores=NC, num_subcores=NS)



def _deg_body(ei_hbm, deg_out, idx_v, hist_v, tmp_v, acc_v, hists_sp):
    c = lax.axis_index("c")
    s = lax.axis_index("s")
    wid = c * NS + s

    a0 = pl.multiple_of((wid * EPT) // 128 * 128, 128)
    off = pl.multiple_of(wid * EPT - a0, 16)

    def zero_body(i, _):
        hist_v[pl.ds(i * 16, 16)] = jnp.zeros((16,), _f32)
        return _
    lax.fori_loop(0, NP // 16, zero_body, None)

    pltpu.sync_copy(ei_hbm.at[:, pl.ds(a0, WIN)], idx_v)

    ones = jnp.ones((16,), _f32)

    def hist_body(i, _):
        for k in range(5):
            idx = idx_v[0, pl.ds(off + i * 80 + k * 16, 16)]
            plsc.addupdate_scatter(hist_v, [idx], ones)
        return _
    lax.fori_loop(0, EPT // 80, hist_body, None)

    pltpu.sync_copy(hist_v, hists_sp.at[s])
    plsc.subcore_barrier()

    base = pl.multiple_of(s * SLICE, 16)
    pltpu.sync_copy(hists_sp.at[0, pl.ds(base, SLICE)], acc_v)

    def merge_body(t, _):
        pltpu.sync_copy(hists_sp.at[t, pl.ds(base, SLICE)], tmp_v)

        def add_body(k, _2):
            sl = pl.ds(k * 16, 16)
            acc_v[sl] = acc_v[sl] + tmp_v[sl]
            return _2
        lax.fori_loop(0, SLICE // 16, add_body, None)
        return _
    lax.fori_loop(1, NS, merge_body, None)

    pltpu.sync_copy(acc_v, deg_out.at[c, pl.ds(base, SLICE)])


def _deg_call(edge_index):
    return pl.kernel(
        _deg_body,
        out_type=jax.ShapeDtypeStruct((NC, NP), _f32),
        mesh=_sc_mesh(),
        compiler_params=pltpu.CompilerParams(needs_layout_passes=False),
        scratch_types=[
            pltpu.VMEM((2, WIN), jnp.int32),
            pltpu.VMEM((NP,), _f32),
            pltpu.VMEM((SLICE,), _f32),
            pltpu.VMEM((SLICE,), _f32),
            pltpu.VMEM_SHARED((NS, NP), _f32),
        ],
    )(edge_index)



def _edge_body(xs_hbm, ei_hbm, acc_out,
               rflat_v, cflat_v, buf0, buf1,
               acc_sp, isem, sem0, sem1):
    c = lax.axis_index("c")
    s = lax.axis_index("s")
    wid = c * NS + s
    ebase = pl.multiple_of(wid * EPT, 16)
    nbase = s * ROWS_PT

    pltpu.async_copy(ei_hbm.at[pl.ds(ebase, EPT)], rflat_v, isem)
    pltpu.async_copy(ei_hbm.at[pl.ds(E + ebase, EPT)], cflat_v, isem)

    def zrow(i, _):
        buf0[i // (D // 16), pl.ds((i % (D // 16)) * 16, 16)] = (
            jnp.zeros((16,), _f32))
        return _
    lax.fori_loop(0, 64 * (D // 16), zrow, None)

    def zcp(k, _):
        pltpu.sync_copy(buf0.at[pl.ds(0, 64)],
                        acc_sp.at[pl.ds(nbase + k * 64, 64)])
        return _
    lax.fori_loop(0, ROWS_PT // 64, zcp, None)

    pltpu.make_async_copy(
        ei_hbm.at[pl.ds(ebase, EPT)], rflat_v, isem).wait()
    pltpu.make_async_copy(
        ei_hbm.at[pl.ds(ebase, EPT)], cflat_v, isem).wait()

    def gidx(j):
        return rflat_v.at[pl.ds(j * B, B)]

    def sidx(j):
        return cflat_v.at[pl.ds(j * B, B)]

    pltpu.async_copy(xs_hbm.at[gidx(0)], buf0, sem0)
    plsc.subcore_barrier()

    def pair(i, _):
        j0 = 2 * i
        pltpu.async_copy(xs_hbm.at[gidx(j0 + 1)], buf1, sem1)
        pltpu.make_async_copy(xs_hbm.at[gidx(j0)], buf0, sem0).wait()
        pltpu.sync_copy(buf0, acc_sp.at[sidx(j0)], add=True)

        @pl.when(j0 + 2 < NFULL)
        def _():
            pltpu.async_copy(xs_hbm.at[gidx(j0 + 2)], buf0, sem0)
        pltpu.make_async_copy(xs_hbm.at[gidx(j0 + 1)], buf1, sem1).wait()
        pltpu.sync_copy(buf1, acc_sp.at[sidx(j0 + 1)], add=True)
        return _
    lax.fori_loop(0, NFULL // 2, pair, None)

    pltpu.async_copy(
        xs_hbm.at[rflat_v.at[pl.ds(NFULL * B, REM)]],
        buf1.at[pl.ds(0, REM)], sem0).wait()
    pltpu.sync_copy(
        buf1.at[pl.ds(0, REM)],
        acc_sp.at[cflat_v.at[pl.ds(NFULL * B, REM)]], add=True)

    plsc.subcore_barrier()

    sl = pl.ds(nbase, ROWS_PT)
    pltpu.sync_copy(acc_sp.at[sl], acc_out.at[c, sl])


def _edge_call(xs, edge_index):
    return pl.kernel(
        _edge_body,
        out_type=jax.ShapeDtypeStruct((NC, NP, D), _f32),
        mesh=_sc_mesh(),
        compiler_params=pltpu.CompilerParams(needs_layout_passes=False),
        scratch_types=[
            pltpu.VMEM((EPT,), jnp.int32),
            pltpu.VMEM((EPT,), jnp.int32),
            pltpu.VMEM((B, D), _f32),
            pltpu.VMEM((B, D), _f32),
            pltpu.VMEM_SHARED((NP, D), _f32),
            pltpu.SemaphoreType.DMA,
            pltpu.SemaphoreType.DMA,
            pltpu.SemaphoreType.DMA,
        ],
    )(xs, edge_index)



BN = 10000


def _mmscale_body(nf_ref, w_ref, deg_ref, x_ref, xs_ref):
    x = jnp.dot(nf_ref[...], w_ref[...], preferred_element_type=_f32)
    x_ref[...] = x
    deg = deg_ref[0, :BN] + deg_ref[1, :BN]
    dis = jnp.where(deg > 0.0, lax.rsqrt(deg), 0.0)
    xs_ref[...] = x * dis[:, None]


def _mmscale_call(nf, w, deg_parts):
    return pl.pallas_call(
        _mmscale_body,
        grid=(N // BN,),
        in_specs=[
            pl.BlockSpec((BN, D), lambda i: (i, 0)),
            pl.BlockSpec((D, D), lambda i: (0, 0)),
            pl.BlockSpec((2, NP), lambda i: (0, 0)),
        ],
        out_specs=[
            pl.BlockSpec((BN, D), lambda i: (i, 0)),
            pl.BlockSpec((BN, D), lambda i: (i, 0)),
        ],
        out_shape=[
            jax.ShapeDtypeStruct((N, D), _f32),
            jax.ShapeDtypeStruct((N, D), _f32),
        ],
    )(nf, w, deg_parts)



def _out_body(acc_ref, deg_ref, x_ref, o_ref):
    a = acc_ref[0] + acc_ref[1]
    deg = deg_ref[0, :BN] + deg_ref[1, :BN]
    dis = jnp.where(deg > 0.0, lax.rsqrt(deg), 0.0)
    o_ref[...] = a * dis[:, None] + x_ref[...]


def _out_call(acc_parts, deg_parts, x):
    return pl.pallas_call(
        _out_body,
        grid=(N // BN,),
        in_specs=[
            pl.BlockSpec((2, BN, D), lambda i: (0, i, 0)),
            pl.BlockSpec((2, NP), lambda i: (0, 0)),
            pl.BlockSpec((BN, D), lambda i: (i, 0)),
        ],
        out_specs=pl.BlockSpec((BN, D), lambda i: (i, 0)),
        out_shape=jax.ShapeDtypeStruct((N, D), _f32),
    )(acc_parts, deg_parts, x)



def kernel(node_feature, edge_index, lin_weight):
    ei_flat = edge_index.reshape(-1)
    deg_parts = _deg_call(edge_index)
    x, xs = _mmscale_call(node_feature, lin_weight, deg_parts)
    acc_parts = _edge_call(xs, ei_flat)
    out = _out_call(acc_parts, deg_parts, x)
    return out

# --- scband reference (transcript-rebuilt; emitter-appended) ---
"""Pipeline reference for scband-custom-conv-84859963834659 (READ-ONLY COPY).

The authoritative reference and input builder live on the scoring server;
editing this copy changes nothing except your own understanding.
"""

import jax, jax.numpy as jnp
import numpy as np

N = 10000
E = 320000
D = 128


def setup_inputs(seed: int = 0) -> dict:
    key = jax.random.key(seed)
    k1, k2, k3 = jax.random.split(key, 3)
    node_feature = jax.random.normal(k1, (N, D), dtype=jnp.float32)
    edge_index = jax.random.randint(k2, (2, E), 0, N, dtype=jnp.int32)
    a = float(np.sqrt(6.0 / (D + D)))  # glorot uniform
    lin_weight = jax.random.uniform(k3, (D, D), minval=-a, maxval=a, dtype=jnp.float32)
    return {"node_feature": node_feature, "edge_index": edge_index, "lin_weight": lin_weight}


def reference(node_feature, edge_index, lin_weight):
    # cfg assumed: agg='add', normalize_adj=True, add_self_loop=False,
    # att=False, msg='identity', combine='add', dropout=0 (eval mode)
    num_nodes = node_feature.shape[0]
    x = jnp.matmul(node_feature, lin_weight)
    row = edge_index[0]
    col = edge_index[1]
    edge_weight = jnp.ones((row.shape[0],), dtype=x.dtype)
    # symmetric normalization: deg^-1/2 * w * deg^-1/2
    deg = jax.ops.segment_sum(edge_weight, row, num_segments=num_nodes)
    deg_inv_sqrt = jnp.power(deg, -0.5)
    deg_inv_sqrt = jnp.where(jnp.isinf(deg_inv_sqrt), 0.0, deg_inv_sqrt)
    norm = deg_inv_sqrt[row] * edge_weight * deg_inv_sqrt[col]
    # message: norm * x_j (alpha == 1 since att=False); aggregate='add' at dst (col)
    msg = norm[:, None] * jnp.take(x, row, axis=0)
    out = jax.ops.segment_sum(msg, col, num_segments=num_nodes)
    # combine='add'
    out = out + x
    return out

if __name__ == "__main__":
    import jax
    _d = setup_inputs()
    print(jax.jit(kernel)(*tuple(_d.values())))

</pallas_src>

<mosaic_0001>
#map = affine_map<(d0, d1) -> (0, 0)>
module attributes {stable_mosaic.version = 14 : i64} {
  func.func @_deg_body(%arg0: i32, %arg1: i32, %arg2: memref<2x320000xi32, #tpu.memory_space<hbm>>, %arg3: memref<2x10240xf32, #tpu.memory_space<hbm>>, %arg4: memref<2x10112xi32, #tpu.memory_space<vmem>>, %arg5: memref<10240xf32, #tpu.memory_space<vmem>>, %arg6: memref<640xf32, #tpu.memory_space<vmem>>, %arg7: memref<640xf32, #tpu.memory_space<vmem>>, %arg8: memref<16x10240xf32, #tpu.memory_space<vmem_shared>>) attributes {dimension_semantics = [#tpu.dimension_semantics<core_parallel>, #tpu.dimension_semantics<subcore_parallel>], iteration_bounds = array<i64: 2, 16>, scalar_prefetch = 0 : i64, scratch_operands = 5 : i64, tpu.core_type = #tpu.core_type<sc_vector_subcore>, window_params = [{transform_indices = #map}, {transform_indices = #map}]} {
    %mul3A = arith.constant 16 : i32
    %mul3A_0 = arith.muli %arg0, %mul3A : i32
    %add3A = arith.addi %mul3A_0, %arg1 : i32
    %mul3A_1 = arith.constant 10000 : i32
    %mul3A_2 = arith.muli %add3A, %mul3A_1 : i32
    %jit3A = arith.constant 128 : i32
    %div3A = arith.divsi %mul3A_2, %jit3A : i32
    %sign3A = arith.constant 0 : i32
    %sign3A_3 = arith.cmpi sgt, %mul3A_2, %sign3A : i32
    %sign3A_4 = arith.extui %sign3A_3 : i1 to i32
    %sign3A_5 = arith.constant 0 : i32
    %sign3A_6 = arith.cmpi slt, %mul3A_2, %sign3A_5 : i32
    %sign3A_7 = arith.extui %sign3A_6 : i1 to i32
    %sign3A_8 = arith.subi %sign3A_4, %sign3A_7 : i32
    %sign3A_9 = arith.constant 0 : i32
    %sign3A_10 = arith.cmpi sgt, %jit3A, %sign3A_9 : i32
    %sign3A_11 = arith.extui %sign3A_10 : i1 to i32
    %sign3A_12 = arith.constant 0 : i32
    %sign3A_13 = arith.cmpi slt, %jit3A, %sign3A_12 : i32
    %sign3A_14 = arith.extui %sign3A_13 : i1 to i32
    %sign3A_15 = arith.subi %sign3A_11, %sign3A_14 : i32
    %ne3A = arith.cmpi ne, %sign3A_8, %sign3A_15 : i32
    %rem3A = arith.remsi %mul3A_2, %jit3A : i32
    %ne3A_16 = arith.constant 0 : i32
    %ne3A_17 = arith.cmpi ne, %rem3A, %ne3A_16 : i32
    %and3A = arith.andi %ne3A, %ne3A_17 : i1
    %sub3A = arith.constant 1 : i32
    %sub3A_18 = arith.subi %div3A, %sub3A : i32
    %select_n3A = arith.select %and3A, %sub3A_18, %div3A : i32
    %mul3A_19 = arith.constant 128 : i32
    %mul3A_20 = arith.muli %select_n3A, %mul3A_19 : i32
    %multiple_of3A = tpu.assume_multiple %mul3A_20, 128 : i32
    %mul3A_21 = arith.constant 10000 : i32
    %mul3A_22 = arith.muli %add3A, %mul3A_21 : i32
    %sub3A_23 = arith.subi %mul3A_22, %multiple_of3A : i32
    %multiple_of3A_24 = tpu.assume_multiple %sub3A_23, 16 : i32
    %scan3A = arith.constant 0 : i32
    %scan3A_25 = arith.constant 640 : i32
    %scan3A_26 = arith.addi %scan3A, %scan3A_25 : i32
    %scan3A_27 = arith.constant 1 : i32
    scf.for %scan3A_43 = %scan3A to %scan3A_26 step %scan3A_27  : i32 {
      %broadcast_in_dim3A_44 = arith.constant 0.000000e+00 : f32
      %broadcast_in_dim3A_45 = vector.broadcast %broadcast_in_dim3A_44 : f32 to vector<16xf32>
      %mul3A_46 = arith.constant 16 : i32
      %mul3A_47 = arith.muli %scan3A_43, %mul3A_46 : i32
      %swap3A = arith.index_cast %mul3A_47 : i32 to index
      %swap3A_48 = tpu.vector_load %arg5[%swap3A] {strides = array<i32>} : memref<10240xf32, #tpu.memory_space<vmem>>, vector<16xf32>,
      tpu.vector_store %arg5[%swap3A], %broadcast_in_dim3A_45 {strides = array<i32>} : memref<10240xf32, #tpu.memory_space<vmem>>, vector<16xf32>,
    }
    %scan3A_28 = arith.constant 640 : i32
    "tpu.region"() ({
      %run_scoped3A_43 = tpu.sem_alloc : memref<!tpu.dma_semaphore, #tpu.memory_space<semaphore_mem>>
      %dma_start3A = arith.constant 0 : i32
      %dma_start3A_44 = tpu.memref_slice %arg2[%dma_start3A, %multiple_of3A] : memref<2x320000xi32, #tpu.memory_space<hbm>> -> memref<2x10112xi32, #tpu.memory_space<hbm>>
      %dma_start3A_45 = arith.constant 0 : i32
      %dma_start3A_46 = tpu.memref_slice %arg2[%dma_start3A_45, %multiple_of3A] : memref<2x320000xi32, #tpu.memory_space<hbm>> -> memref<2x10112xi32, #tpu.memory_space<hbm>>
      tpu.enqueue_dma source(%dma_start3A_46 : memref<2x10112xi32, #tpu.memory_space<hbm>>) target(%arg4 : memref<2x10112xi32, #tpu.memory_space<vmem>>) target_semaphore(%run_scoped3A_43 : memref<!tpu.dma_semaphore, #tpu.memory_space<semaphore_mem>>)
      %dma_wait3A = arith.constant 0 : i32
      %dma_wait3A_47 = tpu.memref_slice %arg2[%dma_wait3A, %multiple_of3A] : memref<2x320000xi32, #tpu.memory_space<hbm>> -> memref<2x10112xi32, #tpu.memory_space<hbm>>
      %dma_wait3A_48 = arith.constant 0 : i32
      %dma_wait3A_49 = tpu.memref_slice %arg2[%dma_wait3A_48, %multiple_of3A] : memref<2x320000xi32, #tpu.memory_space<hbm>> -> memref<2x10112xi32, #tpu.memory_space<hbm>>
      tpu.wait_dma2 semaphore(%run_scoped3A_43 : memref<!tpu.dma_semaphore, #tpu.memory_space<semaphore_mem>>) src(%dma_wait3A_49 : memref<2x10112xi32, #tpu.memory_space<hbm>>) dst(%arg4 : memref<2x10112xi32, #tpu.memory_space<vmem>>)
      tpu.yield
    }) : () -> ()
    %broadcast_in_dim3A = arith.constant 1.000000e+00 : f32
    %broadcast_in_dim3A_29 = vector.broadcast %broadcast_in_dim3A : f32 to vector<16xf32>
    %scan3A_30 = arith.constant 0 : i32
    %scan3A_31 = arith.constant 125 : i32
    %scan3A_32 = arith.addi %scan3A_30, %scan3A_31 : i32
    %scan3A_33 = arith.constant 1 : i32
    scf.for %scan3A_43 = %scan3A_30 to %scan3A_32 step %scan3A_33  : i32 {
      %mul3A_44 = arith.constant 80 : i32
      %mul3A_45 = arith.muli %scan3A_43, %mul3A_44 : i32
      %add3A_46 = arith.addi %multiple_of3A_24, %mul3A_45 : i32
      %add3A_47 = arith.constant 0 : i32
      %add3A_48 = arith.addi %add3A_46, %add3A_47 : i32
      %get3A = arith.constant 0 : i32
      %get3A_49 = arith.index_cast %get3A : i32 to index
      %get3A_50 = arith.index_cast %add3A_48 : i32 to index
      %get3A_51 = tpu.vector_load %arg4[%get3A_49, %get3A_50] {strides = array<i32>} : memref<2x10112xi32, #tpu.memory_space<vmem>>, vector<16xi32>,
      tpu.vector_store_idx %arg5[%get3A_51], %broadcast_in_dim3A_29 {add = true} : memref<10240xf32, #tpu.memory_space<vmem>>[vector<16xi32>], vector<16xf32>,
      %mul3A_52 = arith.constant 80 : i32
      %mul3A_53 = arith.muli %scan3A_43, %mul3A_52 : i32
      %add3A_54 = arith.addi %multiple_of3A_24, %mul3A_53 : i32
      %add3A_55 = arith.constant 16 : i32
      %add3A_56 = arith.addi %add3A_54, %add3A_55 : i32
      %get3A_57 = arith.constant 0 : i32
      %get3A_58 = arith.index_cast %get3A_57 : i32 to index
      %get3A_59 = arith.index_cast %add3A_56 : i32 to index
      %get3A_60 = tpu.vector_load %arg4[%get3A_58, %get3A_59] {strides = array<i32>} : memref<2x10112xi32, #tpu.memory_space<vmem>>, vector<16xi32>,
      tpu.vector_store_idx %arg5[%get3A_60], %broadcast_in_dim3A_29 {add = true} : memref<10240xf32, #tpu.memory_space<vmem>>[vector<16xi32>], vector<16xf32>,
      %mul3A_61 = arith.constant 80 : i32
      %mul3A_62 = arith.muli %scan3A_43, %mul3A_61 : i32
      %add3A_63 = arith.addi %multiple_of3A_24, %mul3A_62 : i32
      %add3A_64 = arith.constant 32 : i32
      %add3A_65 = arith.addi %add3A_63, %add3A_64 : i32
      %get3A_66 = arith.constant 0 : i32
      %get3A_67 = arith.index_cast %get3A_66 : i32 to index
      %get3A_68 = arith.index_cast %add3A_65 : i32 to index
      %get3A_69 = tpu.vector_load %arg4[%get3A_67, %get3A_68] {strides = array<i32>} : memref<2x10112xi32, #tpu.memory_space<vmem>>, vector<16xi32>,
      tpu.vector_store_idx %arg5[%get3A_69], %broadcast_in_dim3A_29 {add = true} : memref<10240xf32, #tpu.memory_space<vmem>>[vector<16xi32>], vector<16xf32>,
      %mul3A_70 = arith.constant 80 : i32
      %mul3A_71 = arith.muli %scan3A_43, %mul3A_70 : i32
      %add3A_72 = arith.addi %multiple_of3A_24, %mul3A_71 : i32
      %add3A_73 = arith.constant 48 : i32
      %add3A_74 = arith.addi %add3A_72, %add3A_73 : i32
      %get3A_75 = arith.constant 0 : i32
      %get3A_76 = arith.index_cast %get3A_75 : i32 to index
      %get3A_77 = arith.index_cast %add3A_74 : i32 to index
      %get3A_78 = tpu.vector_load %arg4[%get3A_76, %get3A_77] {strides = array<i32>} : memref<2x10112xi32, #tpu.memory_space<vmem>>, vector<16xi32>,
      tpu.vector_store_idx %arg5[%get3A_78], %broadcast_in_dim3A_29 {add = true} : memref<10240xf32, #tpu.memory_space<vmem>>[vector<16xi32>], vector<16xf32>,
      %mul3A_79 = arith.constant 80 : i32
      %mul3A_80 = arith.muli %scan3A_43, %mul3A_79 : i32
      %add3A_81 = arith.addi %multiple_of3A_24, %mul3A_80 : i32
      %add3A_82 = arith.constant 64 : i32
      %add3A_83 = arith.addi %add3A_81, %add3A_82 : i32
      %get3A_84 = arith.constant 0 : i32
      %get3A_85 = arith.index_cast %get3A_84 : i32 to index
      %get3A_86 = arith.index_cast %add3A_83 : i32 to index
      %get3A_87 = tpu.vector_load %arg4[%get3A_85, %get3A_86] {strides = array<i32>} : memref<2x10112xi32, #tpu.memory_space<vmem>>, vector<16xi32>,
      tpu.vector_store_idx %arg5[%get3A_87], %broadcast_in_dim3A_29 {add = true} : memref<10240xf32, #tpu.memory_space<vmem>>[vector<16xi32>], vector<16xf32>,
    }
    %scan3A_34 = arith.constant 125 : i32
    "tpu.region"() ({
      %run_scoped3A_43 = tpu.sem_alloc : memref<!tpu.dma_semaphore, #tpu.memory_space<semaphore_mem>>
      %dma_start3A = arith.constant 0 : i32
      %dma_start3A_44 = tpu.memref_slice %arg8[%arg1, %dma_start3A] : memref<16x10240xf32, #tpu.memory_space<vmem_shared>> -> memref<1x10240xf32, #tpu.memory_space<vmem_shared>>
      %dma_start3A_45 = tpu.memref_squeeze %dma_start3A_44 : memref<1x10240xf32, #tpu.memory_space<vmem_shared>> -> memref<10240xf32, #tpu.memory_space<vmem_shared>>
      %dma_start3A_46 = arith.constant 0 : i32
      %dma_start3A_47 = tpu.memref_slice %arg8[%arg1, %dma_start3A_46] : memref<16x10240xf32, #tpu.memory_space<vmem_shared>> -> memref<1x10240xf32, #tpu.memory_space<vmem_shared>>
      %dma_start3A_48 = tpu.memref_squeeze %dma_start3A_47 : memref<1x10240xf32, #tpu.memory_space<vmem_shared>> -> memref<10240xf32, #tpu.memory_space<vmem_shared>>
      tpu.enqueue_dma source(%arg5 : memref<10240xf32, #tpu.memory_space<vmem>>) target(%dma_start3A_48 : memref<10240xf32, #tpu.memory_space<vmem_shared>>) target_semaphore(%run_scoped3A_43 : memref<!tpu.dma_semaphore, #tpu.memory_space<semaphore_mem>>)
      %dma_wait3A = arith.constant 0 : i32
      %dma_wait3A_49 = tpu.memref_slice %arg8[%arg1, %dma_wait3A] : memref<16x10240xf32, #tpu.memory_space<vmem_shared>> -> memref<1x10240xf32, #tpu.memory_space<vmem_shared>>
      %dma_wait3A_50 = tpu.memref_squeeze %dma_wait3A_49 : memref<1x10240xf32, #tpu.memory_space<vmem_shared>> -> memref<10240xf32, #tpu.memory_space<vmem_shared>>
      %dma_wait3A_51 = arith.constant 0 : i32
      %dma_wait3A_52 = tpu.memref_slice %arg8[%arg1, %dma_wait3A_51] : memref<16x10240xf32, #tpu.memory_space<vmem_shared>> -> memref<1x10240xf32, #tpu.memory_space<vmem_shared>>
      %dma_wait3A_53 = tpu.memref_squeeze %dma_wait3A_52 : memref<1x10240xf32, #tpu.memory_space<vmem_shared>> -> memref<10240xf32, #tpu.memory_space<vmem_shared>>
      tpu.wait_dma2 semaphore(%run_scoped3A_43 : memref<!tpu.dma_semaphore, #tpu.memory_space<semaphore_mem>>) src(%arg5 : memref<10240xf32, #tpu.memory_space<vmem>>) dst(%dma_wait3A_53 : memref<10240xf32, #tpu.memory_space<vmem_shared>>)
      tpu.yield
    }) : () -> ()
    %barrier3A = arith.constant 0 : index
    tpu.barrier barrier_id(%barrier3A)
    %mul3A_35 = arith.constant 640 : i32
    %mul3A_36 = arith.muli %arg1, %mul3A_35 : i32
    %multiple_of3A_37 = tpu.assume_multiple %mul3A_36, 16 : i32
    %run_scoped3A = arith.constant 0 : i32
    "tpu.region"() ({
      %run_scoped3A_43 = tpu.sem_alloc : memref<!tpu.dma_semaphore, #tpu.memory_space<semaphore_mem>>
      %dma_start3A = tpu.memref_slice %arg8[%run_scoped3A, %multiple_of3A_37] : memref<16x10240xf32, #tpu.memory_space<vmem_shared>> -> memref<1x640xf32, #tpu.memory_space<vmem_shared>>
      %dma_start3A_44 = tpu.memref_squeeze %dma_start3A : memref<1x640xf32, #tpu.memory_space<vmem_shared>> -> memref<640xf32, #tpu.memory_space<vmem_shared>>
      %dma_start3A_45 = tpu.memref_slice %arg8[%run_scoped3A, %multiple_of3A_37] : memref<16x10240xf32, #tpu.memory_space<vmem_shared>> -> memref<1x640xf32, #tpu.memory_space<vmem_shared>>
      %dma_start3A_46 = tpu.memref_squeeze %dma_start3A_45 : memref<1x640xf32, #tpu.memory_space<vmem_shared>> -> memref<640xf32, #tpu.memory_space<vmem_shared>>
      tpu.enqueue_dma source(%dma_start3A_46 : memref<640xf32, #tpu.memory_space<vmem_shared>>) target(%arg7 : memref<640xf32, #tpu.memory_space<vmem>>) target_semaphore(%run_scoped3A_43 : memref<!tpu.dma_semaphore, #tpu.memory_space<semaphore_mem>>)
      %dma_wait3A = tpu.memref_slice %arg8[%run_scoped3A, %multiple_of3A_37] : memref<16x10240xf32, #tpu.memory_space<vmem_shared>> -> memref<1x640xf32, #tpu.memory_space<vmem_shared>>
      %dma_wait3A_47 = tpu.memref_squeeze %dma_wait3A : memref<1x640xf32, #tpu.memory_space<vmem_shared>> -> memref<640xf32, #tpu.memory_space<vmem_shared>>
      %dma_wait3A_48 = tpu.memref_slice %arg8[%run_scoped3A, %multiple_of3A_37] : memref<16x10240xf32, #tpu.memory_space<vmem_shared>> -> memref<1x640xf32, #tpu.memory_space<vmem_shared>>
      %dma_wait3A_49 = tpu.memref_squeeze %dma_wait3A_48 : memref<1x640xf32, #tpu.memory_space<vmem_shared>> -> memref<640xf32, #tpu.memory_space<vmem_shared>>
      tpu.wait_dma2 semaphore(%run_scoped3A_43 : memref<!tpu.dma_semaphore, #tpu.memory_space<semaphore_mem>>) src(%dma_wait3A_49 : memref<640xf32, #tpu.memory_space<vmem_shared>>) dst(%arg7 : memref<640xf32, #tpu.memory_space<vmem>>)
      tpu.yield
    }) : () -> ()
    %scan3A_38 = arith.constant 1 : i32
    %scan3A_39 = arith.constant 15 : i32
    %scan3A_40 = arith.addi %scan3A_38, %scan3A_39 : i32
    %scan3A_41 = arith.constant 1 : i32
    scf.for %scan3A_43 = %scan3A_38 to %scan3A_40 step %scan3A_41  : i32 {
      "tpu.region"() ({
        %run_scoped3A_49 = tpu.sem_alloc : memref<!tpu.dma_semaphore, #tpu.memory_space<semaphore_mem>>
        %dma_start3A = tpu.memref_slice %arg8[%scan3A_43, %multiple_of3A_37] : memref<16x10240xf32, #tpu.memory_space<vmem_shared>> -> memref<1x640xf32, #tpu.memory_space<vmem_shared>>
        %dma_start3A_50 = tpu.memref_squeeze %dma_start3A : memref<1x640xf32, #tpu.memory_space<vmem_shared>> -> memref<640xf32, #tpu.memory_space<vmem_shared>>
        %dma_start3A_51 = tpu.memref_slice %arg8[%scan3A_43, %multiple_of3A_37] : memref<16x10240xf32, #tpu.memory_space<vmem_shared>> -> memref<1x640xf32, #tpu.memory_space<vmem_shared>>
        %dma_start3A_52 = tpu.memref_squeeze %dma_start3A_51 : memref<1x640xf32, #tpu.memory_space<vmem_shared>> -> memref<640xf32, #tpu.memory_space<vmem_shared>>
        tpu.enqueue_dma source(%dma_start3A_52 : memref<640xf32, #tpu.memory_space<vmem_shared>>) target(%arg6 : memref<640xf32, #tpu.memory_space<vmem>>) target_semaphore(%run_scoped3A_49 : memref<!tpu.dma_semaphore, #tpu.memory_space<semaphore_mem>>)
        %dma_wait3A = tpu.memref_slice %arg8[%scan3A_43, %multiple_of3A_37] : memref<16x10240xf32, #tpu.memory_space<vmem_shared>> -> memref<1x640xf32, #tpu.memory_space<vmem_shared>>
        %dma_wait3A_53 = tpu.memref_squeeze %dma_wait3A : memref<1x640xf32, #tpu.memory_space<vmem_shared>> -> memref<640xf32, #tpu.memory_space<vmem_shared>>
        %dma_wait3A_54 = tpu.memref_slice %arg8[%scan3A_43, %multiple_of3A_37] : memref<16x10240xf32, #tpu.memory_space<vmem_shared>> -> memref<1x640xf32, #tpu.memory_space<vmem_shared>>
        %dma_wait3A_55 = tpu.memref_squeeze %dma_wait3A_54 : memref<1x640xf32, #tpu.memory_space<vmem_shared>> -> memref<640xf32, #tpu.memory_space<vmem_shared>>
        tpu.wait_dma2 semaphore(%run_scoped3A_49 : memref<!tpu.dma_semaphore, #tpu.memory_space<semaphore_mem>>) src(%dma_wait3A_55 : memref<640xf32, #tpu.memory_space<vmem_shared>>) dst(%arg6 : memref<640xf32, #tpu.memory_space<vmem>>)
        tpu.yield
      }) : () -> ()
      %scan3A_44 = arith.constant 0 : i32
      %scan3A_45 = arith.constant 40 : i32
      %scan3A_46 = arith.addi %scan3A_44, %scan3A_45 : i32
      %scan3A_47 = arith.constant 1 : i32
      scf.for %scan3A_49 = %scan3A_44 to %scan3A_46 step %scan3A_47  : i32 {
        %mul3A_50 = arith.constant 16 : i32
        %mul3A_51 = arith.muli %scan3A_49, %mul3A_50 : i32
        %get3A = arith.index_cast %mul3A_51 : i32 to index
        %get3A_52 = tpu.vector_load %arg7[%get3A] {strides = array<i32>} : memref<640xf32, #tpu.memory_space<vmem>>, vector<16xf32>,
        %get3A_53 = arith.index_cast %mul3A_51 : i32 to index
        %get3A_54 = tpu.vector_load %arg6[%get3A_53] {strides = array<i32>} : memref<640xf32, #tpu.memory_space<vmem>>, vector<16xf32>,
        %add3A_55 = arith.addf %get3A_52, %get3A_54 : vector<16xf32>
        %swap3A = arith.index_cast %mul3A_51 : i32 to index
        %swap3A_56 = tpu.vector_load %arg7[%swap3A] {strides = array<i32>} : memref<640xf32, #tpu.memory_space<vmem>>, vector<16xf32>,
        tpu.vector_store %arg7[%swap3A], %add3A_55 {strides = array<i32>} : memref<640xf32, #tpu.memory_space<vmem>>, vector<16xf32>,
      }
      %scan3A_48 = arith.constant 40 : i32
    }
    %scan3A_42 = arith.constant 15 : i32
    "tpu.region"() ({
      %run_scoped3A_43 = tpu.sem_alloc : memref<!tpu.dma_semaphore, #tpu.memory_space<semaphore_mem>>
      %dma_start3A = tpu.memref_slice %arg3[%arg0, %multiple_of3A_37] : memref<2x10240xf32, #tpu.memory_space<hbm>> -> memref<1x640xf32, #tpu.memory_space<hbm>>
      %dma_start3A_44 = tpu.memref_squeeze %dma_start3A : memref<1x640xf32, #tpu.memory_space<hbm>> -> memref<640xf32, #tpu.memory_space<hbm>>
      %dma_start3A_45 = tpu.memref_slice %arg3[%arg0, %multiple_of3A_37] : memref<2x10240xf32, #tpu.memory_space<hbm>> -> memref<1x640xf32, #tpu.memory_space<hbm>>
      %dma_start3A_46 = tpu.memref_squeeze %dma_start3A_45 : memref<1x640xf32, #tpu.memory_space<hbm>> -> memref<640xf32, #tpu.memory_space<hbm>>
      tpu.enqueue_dma source(%arg7 : memref<640xf32, #tpu.memory_space<vmem>>) target(%dma_start3A_46 : memref<640xf32, #tpu.memory_space<hbm>>) target_semaphore(%run_scoped3A_43 : memref<!tpu.dma_semaphore, #tpu.memory_space<semaphore_mem>>)
      %dma_wait3A = tpu.memref_slice %arg3[%arg0, %multiple_of3A_37] : memref<2x10240xf32, #tpu.memory_space<hbm>> -> memref<1x640xf32, #tpu.memory_space<hbm>>
      %dma_wait3A_47 = tpu.memref_squeeze %dma_wait3A : memref<1x640xf32, #tpu.memory_space<hbm>> -> memref<640xf32, #tpu.memory_space<hbm>>
      %dma_wait3A_48 = tpu.memref_slice %arg3[%arg0, %multiple_of3A_37] : memref<2x10240xf32, #tpu.memory_space<hbm>> -> memref<1x640xf32, #tpu.memory_space<hbm>>
      %dma_wait3A_49 = tpu.memref_squeeze %dma_wait3A_48 : memref<1x640xf32, #tpu.memory_space<hbm>> -> memref<640xf32, #tpu.memory_space<hbm>>
      tpu.wait_dma2 semaphore(%run_scoped3A_43 : memref<!tpu.dma_semaphore, #tpu.memory_space<semaphore_mem>>) src(%arg7 : memref<640xf32, #tpu.memory_space<vmem>>) dst(%dma_wait3A_49 : memref<640xf32, #tpu.memory_space<hbm>>)
      tpu.yield
    }) : () -> ()
    return
  }
}

#map = affine_map<(d0, d1) -> (0, 0)>
#map1 = affine_map<(d0, d1) -> (0)>
#map2 = affine_map<(d0, d1) -> (0, 0, 0)>
module attributes {stable_mosaic.version = 14 : i64} {
  func.func @_edge_body(%arg0: i32, %arg1: i32, %arg2: memref<10000x128xf32, #tpu.memory_space<hbm>>, %arg3: memref<640000xi32, #tpu.memory_space<hbm>>, %arg4: memref<2x10240x128xf32, #tpu.memory_space<hbm>>, %arg5: memref<10000xi32, #tpu.memory_space<vmem>>, %arg6: memref<10000xi32, #tpu.memory_space<vmem>>, %arg7: memref<96x128xf32, #tpu.memory_space<vmem>>, %arg8: memref<96x128xf32, #tpu.memory_space<vmem>>, %arg9: memref<10240x128xf32, #tpu.memory_space<vmem_shared>>, %arg10: memref<!tpu.dma_semaphore, #tpu.memory_space<semaphore_mem>>, %arg11: memref<!tpu.dma_semaphore, #tpu.memory_space<semaphore_mem>>, %arg12: memref<!tpu.dma_semaphore, #tpu.memory_space<semaphore_mem>>) attributes {dimension_semantics = [#tpu.dimension_semantics<core_parallel>, #tpu.dimension_semantics<subcore_parallel>], iteration_bounds = array<i64: 2, 16>, scalar_prefetch = 0 : i64, scratch_operands = 8 : i64, tpu.core_type = #tpu.core_type<sc_vector_subcore>, window_params = [{transform_indices = #map}, {transform_indices = #map1}, {transform_indices = #map2}]} {
    %mul3A = arith.constant 16 : i32
    %mul3A_0 = arith.muli %arg0, %mul3A : i32
    %add3A = arith.addi %mul3A_0, %arg1 : i32
    %mul3A_1 = arith.constant 10000 : i32
    %mul3A_2 = arith.muli %add3A, %mul3A_1 : i32
    %multiple_of3A = tpu.assume_multiple %mul3A_2, 16 : i32
    %mul3A_3 = arith.constant 640 : i32
    %mul3A_4 = arith.muli %arg1, %mul3A_3 : i32
    %dma_start3A = tpu.memref_slice %arg3[%multiple_of3A] : memref<640000xi32, #tpu.memory_space<hbm>> -> memref<10000xi32, #tpu.memory_space<hbm>>
    %dma_start3A_5 = tpu.memref_slice %arg3[%multiple_of3A] : memref<640000xi32, #tpu.memory_space<hbm>> -> memref<10000xi32, #tpu.memory_space<hbm>>
    tpu.enqueue_dma source(%dma_start3A_5 : memref<10000xi32, #tpu.memory_space<hbm>>) target(%arg5 : memref<10000xi32, #tpu.memory_space<vmem>>) target_semaphore(%arg10 : memref<!tpu.dma_semaphore, #tpu.memory_space<semaphore_mem>>)
    %add3A_6 = arith.constant 320000 : i32
    %add3A_7 = arith.addi %add3A_6, %multiple_of3A : i32
    %dma_start3A_8 = tpu.memref_slice %arg3[%add3A_7] : memref<640000xi32, #tpu.memory_space<hbm>> -> memref<10000xi32, #tpu.memory_space<hbm>>
    %dma_start3A_9 = tpu.memref_slice %arg3[%add3A_7] : memref<640000xi32, #tpu.memory_space<hbm>> -> memref<10000xi32, #tpu.memory_space<hbm>>
    tpu.enqueue_dma source(%dma_start3A_9 : memref<10000xi32, #tpu.memory_space<hbm>>) target(%arg6 : memref<10000xi32, #tpu.memory_space<vmem>>) target_semaphore(%arg10 : memref<!tpu.dma_semaphore, #tpu.memory_space<semaphore_mem>>)
    %scan3A = arith.constant 0 : i32
    %scan3A_10 = arith.constant 512 : i32
    %scan3A_11 = arith.addi %scan3A, %scan3A_10 : i32
    %scan3A_12 = arith.constant 1 : i32
    scf.for %scan3A_49 = %scan3A to %scan3A_11 step %scan3A_12  : i32 {
      %broadcast_in_dim3A = arith.constant 0.000000e+00 : f32
      %broadcast_in_dim3A_50 = vector.broadcast %broadcast_in_dim3A : f32 to vector<16xf32>
      %jit3A = arith.constant 8 : i32
      %div3A = arith.divsi %scan3A_49, %jit3A : i32
      %sign3A = arith.constant 0 : i32
      %sign3A_51 = arith.cmpi sgt, %scan3A_49, %sign3A : i32
      %sign3A_52 = arith.extui %sign3A_51 : i1 to i32
      %sign3A_53 = arith.constant 0 : i32
      %sign3A_54 = arith.cmpi slt, %scan3A_49, %sign3A_53 : i32
      %sign3A_55 = arith.extui %sign3A_54 : i1 to i32
      %sign3A_56 = arith.subi %sign3A_52, %sign3A_55 : i32
      %sign3A_57 = arith.constant 0 : i32
      %sign3A_58 = arith.cmpi sgt, %jit3A, %sign3A_57 : i32
      %sign3A_59 = arith.extui %sign3A_58 : i1 to i32
      %sign3A_60 = arith.constant 0 : i32
      %sign3A_61 = arith.cmpi slt, %jit3A, %sign3A_60 : i32
      %sign3A_62 = arith.extui %sign3A_61 : i1 to i32
      %sign3A_63 = arith.subi %sign3A_59, %sign3A_62 : i32
      %ne3A = arith.cmpi ne, %sign3A_56, %sign3A_63 : i32
      %rem3A = arith.remsi %scan3A_49, %jit3A : i32
      %ne3A_64 = arith.constant 0 : i32
      %ne3A_65 = arith.cmpi ne, %rem3A, %ne3A_64 : i32
      %and3A = arith.andi %ne3A, %ne3A_65 : i1
      %sub3A = arith.constant 1 : i32
      %sub3A_66 = arith.subi %div3A, %sub3A : i32
      %select_n3A = arith.select %and3A, %sub3A_66, %div3A : i32
      %jit3A_67 = arith.constant 8 : i32
      %eq3A = arith.constant 0 : i32
      %eq3A_68 = arith.cmpi eq, %jit3A_67, %eq3A : i32
      %jit3A_69 = arith.constant 1 : i32
      %select_n3A_70 = arith.select %eq3A_68, %jit3A_69, %jit3A_67 : i32
      %rem3A_71 = arith.remsi %scan3A_49, %select_n3A_70 : i32
      %ne3A_72 = arith.constant 0 : i32
      %ne3A_73 = arith.cmpi ne, %rem3A_71, %ne3A_72 : i32
      %lt3A = arith.constant 0 : i32
      %lt3A_74 = arith.cmpi slt, %rem3A_71, %lt3A : i32
      %lt3A_75 = arith.constant 0 : i32
      %lt3A_76 = arith.cmpi slt, %select_n3A_70, %lt3A_75 : i32
      %ne3A_77 = arith.xori %lt3A_74, %lt3A_76 : i1
      %and3A_78 = arith.andi %ne3A_77, %ne3A_73 : i1
      %add3A_79 = arith.addi %rem3A_71, %select_n3A_70 : i32
      %select_n3A_80 = arith.select %and3A_78, %add3A_79, %rem3A_71 : i32
      %mul3A_81 = arith.constant 16 : i32
      %mul3A_82 = arith.muli %select_n3A_80, %mul3A_81 : i32
      %swap3A = arith.index_cast %select_n3A : i32 to index
      %swap3A_83 = arith.index_cast %mul3A_82 : i32 to index
      %swap3A_84 = tpu.vector_load %arg7[%swap3A, %swap3A_83] {strides = array<i32>} : memref<96x128xf32, #tpu.memory_space<vmem>>, vector<16xf32>,
      tpu.vector_store %arg7[%swap3A, %swap3A_83], %broadcast_in_dim3A_50 {strides = array<i32>} : memref<96x128xf32, #tpu.memory_space<vmem>>, vector<16xf32>,
    }
    %scan3A_13 = arith.constant 512 : i32
    %scan3A_14 = arith.constant 0 : i32
    %scan3A_15 = arith.constant 10 : i32
    %scan3A_16 = arith.addi %scan3A_14, %scan3A_15 : i32
    %scan3A_17 = arith.constant 1 : i32
    scf.for %scan3A_49 = %scan3A_14 to %scan3A_16 step %scan3A_17  : i32 {
      %mul3A_50 = arith.constant 64 : i32
      %mul3A_51 = arith.muli %scan3A_49, %mul3A_50 : i32
      %add3A_52 = arith.addi %mul3A_4, %mul3A_51 : i32
      "tpu.region"() ({
        %run_scoped3A = tpu.sem_alloc : memref<!tpu.dma_semaphore, #tpu.memory_space<semaphore_mem>>
        %dma_start3A_53 = arith.constant 0 : i32
        %dma_start3A_54 = arith.constant 0 : i32
        %dma_start3A_55 = tpu.memref_slice %arg7[%dma_start3A_53, %dma_start3A_54] : memref<96x128xf32, #tpu.memory_space<vmem>> -> memref<64x128xf32, #tpu.memory_space<vmem>>
        %dma_start3A_56 = arith.constant 0 : i32
        %dma_start3A_57 = tpu.memref_slice %arg9[%add3A_52, %dma_start3A_56] : memref<10240x128xf32, #tpu.memory_space<vmem_shared>> -> memref<64x128xf32, #tpu.memory_space<vmem_shared>>
        %dma_start3A_58 = arith.constant 0 : i32
        %dma_start3A_59 = tpu.memref_slice %arg9[%add3A_52, %dma_start3A_58] : memref<10240x128xf32, #tpu.memory_space<vmem_shared>> -> memref<64x128xf32, #tpu.memory_space<vmem_shared>>
        %dma_start3A_60 = arith.constant 0 : i32
        %dma_start3A_61 = arith.constant 0 : i32
        %dma_start3A_62 = tpu.memref_slice %arg7[%dma_start3A_60, %dma_start3A_61] : memref<96x128xf32, #tpu.memory_space<vmem>> -> memref<64x128xf32, #tpu.memory_space<vmem>>
        tpu.enqueue_dma source(%dma_start3A_62 : memref<64x128xf32, #tpu.memory_space<vmem>>) target(%dma_start3A_59 : memref<64x128xf32, #tpu.memory_space<vmem_shared>>) target_semaphore(%run_scoped3A : memref<!tpu.dma_semaphore, #tpu.memory_space<semaphore_mem>>)
        %dma_wait3A_63 = arith.constant 0 : i32
        %dma_wait3A_64 = arith.constant 0 : i32
        %dma_wait3A_65 = tpu.memref_slice %arg7[%dma_wait3A_63, %dma_wait3A_64] : memref<96x128xf32, #tpu.memory_space<vmem>> -> memref<64x128xf32, #tpu.memory_space<vmem>>
        %dma_wait3A_66 = arith.constant 0 : i32
        %dma_wait3A_67 = tpu.memref_slice %arg9[%add3A_52, %dma_wait3A_66] : memref<10240x128xf32, #tpu.memory_space<vmem_shared>> -> memref<64x128xf32, #tpu.memory_space<vmem_shared>>
        %dma_wait3A_68 = arith.constant 0 : i32
        %dma_wait3A_69 = tpu.memref_slice %arg9[%add3A_52, %dma_wait3A_68] : memref<10240x128xf32, #tpu.memory_space<vmem_shared>> -> memref<64x128xf32, #tpu.memory_space<vmem_shared>>
        %dma_wait3A_70 = arith.constant 0 : i32
        %dma_wait3A_71 = arith.constant 0 : i32
        %dma_wait3A_72 = tpu.memref_slice %arg7[%dma_wait3A_70, %dma_wait3A_71] : memref<96x128xf32, #tpu.memory_space<vmem>> -> memref<64x128xf32, #tpu.memory_space<vmem>>
        tpu.wait_dma2 semaphore(%run_scoped3A : memref<!tpu.dma_semaphore, #tpu.memory_space<semaphore_mem>>) src(%dma_wait3A_72 : memref<64x128xf32, #tpu.memory_space<vmem>>) dst(%dma_wait3A_69 : memref<64x128xf32, #tpu.memory_space<vmem_shared>>)
        tpu.yield
      }) : () -> ()
    }
    %scan3A_18 = arith.constant 10 : i32
    %dma_wait3A = tpu.memref_slice %arg3[%multiple_of3A] : memref<640000xi32, #tpu.memory_space<hbm>> -> memref<10000xi32, #tpu.memory_space<hbm>>
    %dma_wait3A_19 = tpu.memref_slice %arg3[%multiple_of3A] : memref<640000xi32, #tpu.memory_space<hbm>> -> memref<10000xi32, #tpu.memory_space<hbm>>
    tpu.wait_dma2 semaphore(%arg10 : memref<!tpu.dma_semaphore, #tpu.memory_space<semaphore_mem>>) src(%dma_wait3A_19 : memref<10000xi32, #tpu.memory_space<hbm>>) dst(%arg5 : memref<10000xi32, #tpu.memory_space<vmem>>)
    %dma_wait3A_20 = tpu.memref_slice %arg3[%multiple_of3A] : memref<640000xi32, #tpu.memory_space<hbm>> -> memref<10000xi32, #tpu.memory_space<hbm>>
    %dma_wait3A_21 = tpu.memref_slice %arg3[%multiple_of3A] : memref<640000xi32, #tpu.memory_space<hbm>> -> memref<10000xi32, #tpu.memory_space<hbm>>
    tpu.wait_dma2 semaphore(%arg10 : memref<!tpu.dma_semaphore, #tpu.memory_space<semaphore_mem>>) src(%dma_wait3A_21 : memref<10000xi32, #tpu.memory_space<hbm>>) dst(%arg6 : memref<10000xi32, #tpu.memory_space<vmem>>)
    %dma_start3A_22 = arith.constant 0 : i32
    %dma_start3A_23 = tpu.memref_slice %arg5[%dma_start3A_22] : memref<10000xi32, #tpu.memory_space<vmem>> -> memref<96xi32, #tpu.memory_space<vmem>>
    %dma_start3A_24 = arith.constant 0 : i32
    %dma_start3A_25 = arith.constant 0 : i32
    %dma_start3A_26 = tpu.memref_slice %arg2[%dma_start3A_24, %dma_start3A_25] : memref<10000x128xf32, #tpu.memory_space<hbm>> -> memref<10000x128xf32, #tpu.memory_space<hbm>>
    tpu.enqueue_indirect_dma source(%dma_start3A_26 : memref<10000x128xf32, #tpu.memory_space<hbm>>) target(%arg7 : memref<96x128xf32, #tpu.memory_space<vmem>>) offsets(%dma_start3A_23 : memref<96xi32, #tpu.memory_space<vmem>>) semaphore(%arg11 : memref<!tpu.dma_semaphore, #tpu.memory_space<semaphore_mem>>)
    %barrier3A = arith.constant 0 : index
    tpu.barrier barrier_id(%barrier3A)
    %scan3A_27 = arith.constant 0 : i32
    %scan3A_28 = arith.constant 52 : i32
    %scan3A_29 = arith.addi %scan3A_27, %scan3A_28 : i32
    %scan3A_30 = arith.constant 1 : i32
    scf.for %scan3A_49 = %scan3A_27 to %scan3A_29 step %scan3A_30  : i32 {
      %mul3A_50 = arith.constant 2 : i32
      %mul3A_51 = arith.muli %mul3A_50, %scan3A_49 : i32
      %add3A_52 = arith.constant 1 : i32
      %add3A_53 = arith.addi %mul3A_51, %add3A_52 : i32
      %mul3A_54 = arith.constant 96 : i32
      %mul3A_55 = arith.muli %add3A_53, %mul3A_54 : i32
      %dma_start3A_56 = tpu.memref_slice %arg5[%mul3A_55] : memref<10000xi32, #tpu.memory_space<vmem>> -> memref<96xi32, #tpu.memory_space<vmem>>
      %dma_start3A_57 = arith.constant 0 : i32
      %dma_start3A_58 = arith.constant 0 : i32
      %dma_start3A_59 = tpu.memref_slice %arg2[%dma_start3A_57, %dma_start3A_58] : memref<10000x128xf32, #tpu.memory_space<hbm>> -> memref<10000x128xf32, #tpu.memory_space<hbm>>
      tpu.enqueue_indirect_dma source(%dma_start3A_59 : memref<10000x128xf32, #tpu.memory_space<hbm>>) target(%arg8 : memref<96x128xf32, #tpu.memory_space<vmem>>) offsets(%dma_start3A_56 : memref<96xi32, #tpu.memory_space<vmem>>) semaphore(%arg12 : memref<!tpu.dma_semaphore, #tpu.memory_space<semaphore_mem>>)
      %mul3A_60 = arith.constant 96 : i32
      %mul3A_61 = arith.muli %mul3A_51, %mul3A_60 : i32
      %dma_wait3A_62 = tpu.memref_slice %arg5[%mul3A_61] : memref<10000xi32, #tpu.memory_space<vmem>> -> memref<96xi32, #tpu.memory_space<vmem>>
      %dma_wait3A_63 = arith.constant 0 : i32
      %dma_wait3A_64 = arith.constant 0 : i32
      %dma_wait3A_65 = tpu.memref_slice %arg2[%dma_wait3A_63, %dma_wait3A_64] : memref<10000x128xf32, #tpu.memory_space<hbm>> -> memref<10000x128xf32, #tpu.memory_space<hbm>>
      tpu.wait_indirect_dma semaphore(%arg11 : memref<!tpu.dma_semaphore, #tpu.memory_space<semaphore_mem>>) src(%dma_wait3A_65 : memref<10000x128xf32, #tpu.memory_space<hbm>>) dst(%arg7 : memref<96x128xf32, #tpu.memory_space<vmem>>)
      %mul3A_66 = arith.constant 96 : i32
      %mul3A_67 = arith.muli %mul3A_51, %mul3A_66 : i32
      "tpu.region"() ({
        %run_scoped3A = tpu.sem_alloc : memref<!tpu.dma_semaphore, #tpu.memory_space<semaphore_mem>>
        %dma_start3A_84 = tpu.memref_slice %arg6[%mul3A_67] : memref<10000xi32, #tpu.memory_space<vmem>> -> memref<96xi32, #tpu.memory_space<vmem>>
        %dma_start3A_85 = arith.constant 0 : i32
        %dma_start3A_86 = arith.constant 0 : i32
        %dma_start3A_87 = tpu.memref_slice %arg9[%dma_start3A_85, %dma_start3A_86] : memref<10240x128xf32, #tpu.memory_space<vmem_shared>> -> memref<10240x128xf32, #tpu.memory_space<vmem_shared>>
        tpu.enqueue_indirect_dma source(%arg7 : memref<96x128xf32, #tpu.memory_space<vmem>>) target(%dma_start3A_87 : memref<10240x128xf32, #tpu.memory_space<vmem_shared>>) offsets(%dma_start3A_84 : memref<96xi32, #tpu.memory_space<vmem>>) semaphore(%run_scoped3A : memref<!tpu.dma_semaphore, #tpu.memory_space<semaphore_mem>>) {add = true}
        %dma_wait3A_88 = tpu.memref_slice %arg6[%mul3A_67] : memref<10000xi32, #tpu.memory_space<vmem>> -> memref<96xi32, #tpu.memory_space<vmem>>
        %dma_wait3A_89 = arith.constant 0 : i32
        %dma_wait3A_90 = arith.constant 0 : i32
        %dma_wait3A_91 = tpu.memref_slice %arg9[%dma_wait3A_89, %dma_wait3A_90] : memref<10240x128xf32, #tpu.memory_space<vmem_shared>> -> memref<10240x128xf32, #tpu.memory_space<vmem_shared>>
        tpu.wait_indirect_dma semaphore(%run_scoped3A : memref<!tpu.dma_semaphore, #tpu.memory_space<semaphore_mem>>) src(%arg7 : memref<96x128xf32, #tpu.memory_space<vmem>>) dst(%dma_wait3A_91 : memref<10240x128xf32, #tpu.memory_space<vmem_shared>>)
        tpu.yield
      }) : () -> ()
      %add3A_68 = arith.constant 2 : i32
      %add3A_69 = arith.addi %mul3A_51, %add3A_68 : i32
      %lt3A = arith.constant 104 : i32
      %lt3A_70 = arith.cmpi slt, %add3A_69, %lt3A : i32
      %convert_element_type3A = arith.extui %lt3A_70 : i1 to i32
      %cond3A = arith.constant 0 : i32
      %cond3A_71 = arith.cmpi ne, %convert_element_type3A, %cond3A : i32
      scf.if %cond3A_71 {
        %add3A_84 = arith.constant 2 : i32
        %add3A_85 = arith.addi %mul3A_51, %add3A_84 : i32
        %mul3A_86 = arith.constant 96 : i32
        %mul3A_87 = arith.muli %add3A_85, %mul3A_86 : i32
        %dma_start3A_88 = tpu.memref_slice %arg5[%mul3A_87] : memref<10000xi32, #tpu.memory_space<vmem>> -> memref<96xi32, #tpu.memory_space<vmem>>
        %dma_start3A_89 = arith.constant 0 : i32
        %dma_start3A_90 = arith.constant 0 : i32
        %dma_start3A_91 = tpu.memref_slice %arg2[%dma_start3A_89, %dma_start3A_90] : memref<10000x128xf32, #tpu.memory_space<hbm>> -> memref<10000x128xf32, #tpu.memory_space<hbm>>
        tpu.enqueue_indirect_dma source(%dma_start3A_91 : memref<10000x128xf32, #tpu.memory_space<hbm>>) target(%arg7 : memref<96x128xf32, #tpu.memory_space<vmem>>) offsets(%dma_start3A_88 : memref<96xi32, #tpu.memory_space<vmem>>) semaphore(%arg11 : memref<!tpu.dma_semaphore, #tpu.memory_space<semaphore_mem>>)
      } else {
      }
      %add3A_72 = arith.constant 1 : i32
      %add3A_73 = arith.addi %mul3A_51, %add3A_72 : i32
      %mul3A_74 = arith.constant 96 : i32
      %mul3A_75 = arith.muli %add3A_73, %mul3A_74 : i32
      %dma_wait3A_76 = tpu.memref_slice %arg5[%mul3A_75] : memref<10000xi32, #tpu.memory_space<vmem>> -> memref<96xi32, #tpu.memory_space<vmem>>
      %dma_wait3A_77 = arith.constant 0 : i32
      %dma_wait3A_78 = arith.constant 0 : i32
      %dma_wait3A_79 = tpu.memref_slice %arg2[%dma_wait3A_77, %dma_wait3A_78] : memref<10000x128xf32, #tpu.memory_space<hbm>> -> memref<10000x128xf32, #tpu.memory_space<hbm>>
      tpu.wait_indirect_dma semaphore(%arg12 : memref<!tpu.dma_semaphore, #tpu.memory_space<semaphore_mem>>) src(%dma_wait3A_79 : memref<10000x128xf32, #tpu.memory_space<hbm>>) dst(%arg8 : memref<96x128xf32, #tpu.memory_space<vmem>>)
      %add3A_80 = arith.constant 1 : i32
      %add3A_81 = arith.addi %mul3A_51, %add3A_80 : i32
      %mul3A_82 = arith.constant 96 : i32
      %mul3A_83 = arith.muli %add3A_81, %mul3A_82 : i32
      "tpu.region"() ({
        %run_scoped3A = tpu.sem_alloc : memref<!tpu.dma_semaphore, #tpu.memory_space<semaphore_mem>>
        %dma_start3A_84 = tpu.memref_slice %arg6[%mul3A_83] : memref<10000xi32, #tpu.memory_space<vmem>> -> memref<96xi32, #tpu.memory_space<vmem>>
        %dma_start3A_85 = arith.constant 0 : i32
        %dma_start3A_86 = arith.constant 0 : i32
        %dma_start3A_87 = tpu.memref_slice %arg9[%dma_start3A_85, %dma_start3A_86] : memref<10240x128xf32, #tpu.memory_space<vmem_shared>> -> memref<10240x128xf32, #tpu.memory_space<vmem_shared>>
        tpu.enqueue_indirect_dma source(%arg8 : memref<96x128xf32, #tpu.memory_space<vmem>>) target(%dma_start3A_87 : memref<10240x128xf32, #tpu.memory_space<vmem_shared>>) offsets(%dma_start3A_84 : memref<96xi32, #tpu.memory_space<vmem>>) semaphore(%run_scoped3A : memref<!tpu.dma_semaphore, #tpu.memory_space<semaphore_mem>>) {add = true}
        %dma_wait3A_88 = tpu.memref_slice %arg6[%mul3A_83] : memref<10000xi32, #tpu.memory_space<vmem>> -> memref<96xi32, #tpu.memory_space<vmem>>
        %dma_wait3A_89 = arith.constant 0 : i32
        %dma_wait3A_90 = arith.constant 0 : i32
        %dma_wait3A_91 = tpu.memref_slice %arg9[%dma_wait3A_89, %dma_wait3A_90] : memref<10240x128xf32, #tpu.memory_space<vmem_shared>> -> memref<10240x128xf32, #tpu.memory_space<vmem_shared>>
        tpu.wait_indirect_dma semaphore(%run_scoped3A : memref<!tpu.dma_semaphore, #tpu.memory_space<semaphore_mem>>) src(%arg8 : memref<96x128xf32, #tpu.memory_space<vmem>>) dst(%dma_wait3A_91 : memref<10240x128xf32, #tpu.memory_space<vmem_shared>>)
        tpu.yield
      }) : () -> ()
    }
    %scan3A_31 = arith.constant 52 : i32
    %dma_start3A_32 = arith.constant 0 : i32
    %dma_start3A_33 = arith.constant 0 : i32
    %dma_start3A_34 = tpu.memref_slice %arg8[%dma_start3A_32, %dma_start3A_33] : memref<96x128xf32, #tpu.memory_space<vmem>> -> memref<16x128xf32, #tpu.memory_space<vmem>>
    %dma_start3A_35 = arith.constant 9984 : i32
    %dma_start3A_36 = tpu.memref_slice %arg5[%dma_start3A_35] : memref<10000xi32, #tpu.memory_space<vmem>> -> memref<16xi32, #tpu.memory_space<vmem>>
    %dma_start3A_37 = arith.constant 0 : i32
    %dma_start3A_38 = arith.constant 0 : i32
    %dma_start3A_39 = tpu.memref_slice %arg2[%dma_start3A_37, %dma_start3A_38] : memref<10000x128xf32, #tpu.memory_space<hbm>> -> memref<10000x128xf32, #tpu.memory_space<hbm>>
    tpu.enqueue_indirect_dma source(%dma_start3A_39 : memref<10000x128xf32, #tpu.memory_space<hbm>>) target(%dma_start3A_34 : memref<16x128xf32, #tpu.memory_space<vmem>>) offsets(%dma_start3A_36 : memref<16xi32, #tpu.memory_space<vmem>>) semaphore(%arg11 : memref<!tpu.dma_semaphore, #tpu.memory_space<semaphore_mem>>)
    %dma_wait3A_40 = arith.constant 0 : i32
    %dma_wait3A_41 = arith.constant 0 : i32
    %dma_wait3A_42 = tpu.memref_slice %arg8[%dma_wait3A_40, %dma_wait3A_41] : memref<96x128xf32, #tpu.memory_space<vmem>> -> memref<16x128xf32, #tpu.memory_space<vmem>>
    %dma_wait3A_43 = arith.constant 9984 : i32
    %dma_wait3A_44 = tpu.memref_slice %arg5[%dma_wait3A_43] : memref<10000xi32, #tpu.memory_space<vmem>> -> memref<16xi32, #tpu.memory_space<vmem>>
    %dma_wait3A_45 = arith.constant 0 : i32
    %dma_wait3A_46 = arith.constant 0 : i32
    %dma_wait3A_47 = tpu.memref_slice %arg2[%dma_wait3A_45, %dma_wait3A_46] : memref<10000x128xf32, #tpu.memory_space<hbm>> -> memref<10000x128xf32, #tpu.memory_space<hbm>>
    tpu.wait_indirect_dma semaphore(%arg11 : memref<!tpu.dma_semaphore, #tpu.memory_space<semaphore_mem>>) src(%dma_wait3A_47 : memref<10000x128xf32, #tpu.memory_space<hbm>>) dst(%dma_wait3A_42 : memref<16x128xf32, #tpu.memory_space<vmem>>)
    "tpu.region"() ({
      %run_scoped3A = tpu.sem_alloc : memref<!tpu.dma_semaphore, #tpu.memory_space<semaphore_mem>>
      %dma_start3A_49 = arith.constant 0 : i32
      %dma_start3A_50 = arith.constant 0 : i32
      %dma_start3A_51 = tpu.memref_slice %arg8[%dma_start3A_49, %dma_start3A_50] : memref<96x128xf32, #tpu.memory_space<vmem>> -> memref<16x128xf32, #tpu.memory_space<vmem>>
      %dma_start3A_52 = arith.constant 9984 : i32
      %dma_start3A_53 = tpu.memref_slice %arg6[%dma_start3A_52] : memref<10000xi32, #tpu.memory_space<vmem>> -> memref<16xi32, #tpu.memory_space<vmem>>
      %dma_start3A_54 = arith.constant 0 : i32
      %dma_start3A_55 = arith.constant 0 : i32
      %dma_start3A_56 = tpu.memref_slice %arg9[%dma_start3A_54, %dma_start3A_55] : memref<10240x128xf32, #tpu.memory_space<vmem_shared>> -> memref<10240x128xf32, #tpu.memory_space<vmem_shared>>
      tpu.enqueue_indirect_dma source(%dma_start3A_51 : memref<16x128xf32, #tpu.memory_space<vmem>>) target(%dma_start3A_56 : memref<10240x128xf32, #tpu.memory_space<vmem_shared>>) offsets(%dma_start3A_53 : memref<16xi32, #tpu.memory_space<vmem>>) semaphore(%run_scoped3A : memref<!tpu.dma_semaphore, #tpu.memory_space<semaphore_mem>>) {add = true}
      %dma_wait3A_57 = arith.constant 0 : i32
      %dma_wait3A_58 = arith.constant 0 : i32
      %dma_wait3A_59 = tpu.memref_slice %arg8[%dma_wait3A_57, %dma_wait3A_58] : memref<96x128xf32, #tpu.memory_space<vmem>> -> memref<16x128xf32, #tpu.memory_space<vmem>>
      %dma_wait3A_60 = arith.constant 9984 : i32
      %dma_wait3A_61 = tpu.memref_slice %arg6[%dma_wait3A_60] : memref<10000xi32, #tpu.memory_space<vmem>> -> memref<16xi32, #tpu.memory_space<vmem>>
      %dma_wait3A_62 = arith.constant 0 : i32
      %dma_wait3A_63 = arith.constant 0 : i32
      %dma_wait3A_64 = tpu.memref_slice %arg9[%dma_wait3A_62, %dma_wait3A_63] : memref<10240x128xf32, #tpu.memory_space<vmem_shared>> -> memref<10240x128xf32, #tpu.memory_space<vmem_shared>>
      tpu.wait_indirect_dma semaphore(%run_scoped3A : memref<!tpu.dma_semaphore, #tpu.memory_space<semaphore_mem>>) src(%dma_wait3A_59 : memref<16x128xf32, #tpu.memory_space<vmem>>) dst(%dma_wait3A_64 : memref<10240x128xf32, #tpu.memory_space<vmem_shared>>)
      tpu.yield
    }) : () -> ()
    %barrier3A_48 = arith.constant 0 : index
    tpu.barrier barrier_id(%barrier3A_48)
    "tpu.region"() ({
      %run_scoped3A = tpu.sem_alloc : memref<!tpu.dma_semaphore, #tpu.memory_space<semaphore_mem>>
      %dma_start3A_49 = arith.constant 0 : i32
      %dma_start3A_50 = tpu.memref_slice %arg4[%arg0, %mul3A_4, %dma_start3A_49] : memref<2x10240x128xf32, #tpu.memory_space<hbm>> -> memref<1x640x128xf32, #tpu.memory_space<hbm>>
      %dma_start3A_51 = tpu.memref_squeeze %dma_start3A_50 : memref<1x640x128xf32, #tpu.memory_space<hbm>> -> memref<640x128xf32, #tpu.memory_space<hbm>>
      %dma_start3A_52 = arith.constant 0 : i32
      %dma_start3A_53 = tpu.memref_slice %arg9[%mul3A_4, %dma_start3A_52] : memref<10240x128xf32, #tpu.memory_space<vmem_shared>> -> memref<640x128xf32, #tpu.memory_space<vmem_shared>>
      tpu.enqueue_dma source(%dma_start3A_53 : memref<640x128xf32, #tpu.memory_space<vmem_shared>>) target(%dma_start3A_51 : memref<640x128xf32, #tpu.memory_space<hbm>>) target_semaphore(%run_scoped3A : memref<!tpu.dma_semaphore, #tpu.memory_space<semaphore_mem>>)
      %dma_wait3A_54 = arith.constant 0 : i32
      %dma_wait3A_55 = tpu.memref_slice %arg4[%arg0, %mul3A_4, %dma_wait3A_54] : memref<2x10240x128xf32, #tpu.memory_space<hbm>> -> memref<1x640x128xf32, #tpu.memory_space<hbm>>
      %dma_wait3A_56 = tpu.memref_squeeze %dma_wait3A_55 : memref<1x640x128xf32, #tpu.memory_space<hbm>> -> memref<640x128xf32, #tpu.memory_space<hbm>>
      %dma_wait3A_57 = arith.constant 0 : i32
      %dma_wait3A_58 = tpu.memref_slice %arg9[%mul3A_4, %dma_wait3A_57] : memref<10240x128xf32, #tpu.memory_space<vmem_shared>> -> memref<640x128xf32, #tpu.memory_space<vmem_shared>>
      tpu.wait_dma2 semaphore(%run_scoped3A : memref<!tpu.dma_semaphore, #tpu.memory_space<semaphore_mem>>) src(%dma_wait3A_58 : memref<640x128xf32, #tpu.memory_space<vmem_shared>>) dst(%dma_wait3A_56 : memref<640x128xf32, #tpu.memory_space<hbm>>)
      tpu.yield
    }) : () -> ()
    return
  }
}

module attributes {stable_mosaic.version = 14 : i64} {
  func.func @_out_body(%arg0: i32, %arg1: memref<2x10000x128xf32, #tpu.memory_space<vmem>>, %arg2: memref<2x10240xf32, #tpu.memory_space<vmem>>, %arg3: memref<10000x128xf32, #tpu.memory_space<vmem>>, %arg4: memref<10000x128xf32, #tpu.memory_space<vmem>>) attributes {dimension_semantics = [#tpu.dimension_semantics<arbitrary>], iteration_bounds = array<i64: 1>, scalar_prefetch = 0 : i64, scratch_operands = 0 : i64, tpu.core_type = #tpu.core_type<tc>, window_params = [{transform_indices = @transform_0, window_bounds = array<i64: 2, 10000, 128>}, {pipeline_mode = #tpu.pipeline_mode<synchronous>, transform_indices = @transform_1, window_bounds = array<i64: 2, 10240>}, {transform_indices = @transform_2, window_bounds = array<i64: 10000, 128>}, {transform_indices = @transform_3, window_bounds = array<i64: 10000, 128>}]} {
    %get3A = arith.constant 0 : index
    %get3A_0 = arith.constant 0 : index
    %get3A_1 = arith.constant 0 : index
    %get3A_2 = vector.load %arg1[%get3A, %get3A_0, %get3A_1] : memref<2x10000x128xf32, #tpu.memory_space<vmem>>, vector<1x10000x128xf32>
    %get3A_3 = vector.shape_cast %get3A_2 : vector<1x10000x128xf32> to vector<10000x128xf32>
    %get3A_4 = arith.constant 1 : index
    %get3A_5 = arith.constant 0 : index
    %get3A_6 = arith.constant 0 : index
    %get3A_7 = vector.load %arg1[%get3A_4, %get3A_5, %get3A_6] : memref<2x10000x128xf32, #tpu.memory_space<vmem>>, vector<1x10000x128xf32>
    %get3A_8 = vector.shape_cast %get3A_7 : vector<1x10000x128xf32> to vector<10000x128xf32>
    %add3A = arith.addf %get3A_3, %get3A_8 : vector<10000x128xf32>
    %get3A_9 = arith.constant 0 : index
    %get3A_10 = arith.constant 0 : index
    %get3A_11 = vector.load %arg2[%get3A_9, %get3A_10] : memref<2x10240xf32, #tpu.memory_space<vmem>>, vector<1x10000xf32>
    %get3A_12 = vector.shape_cast %get3A_11 : vector<1x10000xf32> to vector<10000xf32>
    %get3A_13 = arith.constant 1 : index
    %get3A_14 = arith.constant 0 : index
    %get3A_15 = vector.load %arg2[%get3A_13, %get3A_14] : memref<2x10240xf32, #tpu.memory_space<vmem>>, vector<1x10000xf32>
    %get3A_16 = vector.shape_cast %get3A_15 : vector<1x10000xf32> to vector<10000xf32>
    %add3A_17 = arith.addf %get3A_12, %get3A_16 : vector<10000xf32>
    %gt3A = arith.constant 0.000000e+00 : f32
    %gt3A_18 = vector.broadcast %gt3A : f32 to vector<10000xf32>
    %gt3A_19 = arith.cmpf ogt, %add3A_17, %gt3A_18 : vector<10000xf32>
    %rsqrt3A = math.rsqrt %add3A_17 : vector<10000xf32>
    %jit3A = arith.constant 0.000000e+00 : f32
    %broadcast_in_dim3A = vector.broadcast %jit3A : f32 to vector<10000xf32>
    %select_n3A = arith.select %gt3A_19, %rsqrt3A, %broadcast_in_dim3A : vector<10000xi1>, vector<10000xf32>
    %broadcast_in_dim3A_20 = vector.shape_cast %select_n3A : vector<10000xf32> to vector<10000x1xf32>
    %mul3A = vector.broadcast %broadcast_in_dim3A_20 : vector<10000x1xf32> to vector<10000x128xf32>
    %mul3A_21 = arith.mulf %add3A, %mul3A : vector<10000x128xf32>
    %get3A_22 = arith.constant 0 : index
    %get3A_23 = arith.constant 0 : index
    %get3A_24 = vector.load %arg3[%get3A_22, %get3A_23] : memref<10000x128xf32, #tpu.memory_space<vmem>>, vector<10000x128xf32>
    %add3A_25 = arith.addf %mul3A_21, %get3A_24 : vector<10000x128xf32>
    %swap3A = arith.constant 0 : index
    %swap3A_26 = arith.constant 0 : index
    %swap3A_27 = vector.load %arg4[%swap3A, %swap3A_26] : memref<10000x128xf32, #tpu.memory_space<vmem>>, vector<10000x128xf32>
    tpu.vector_store %arg4[%swap3A, %swap3A_26], %add3A_25 {strides = array<i32>} : memref<10000x128xf32, #tpu.memory_space<vmem>>, vector<10000x128xf32>,
    return
  }
  func.func @transform_0(%arg0: i32) -> (i32, i32, i32) {
    %c0_i32 = arith.constant 0 : i32
    %c0_i32_0 = arith.constant 0 : i32
    %c0_i32_1 = arith.constant 0 : i32
    return %c0_i32, %arg0, %c0_i32_0 : i32, i32, i32
  }
  func.func @transform_1(%arg0: i32) -> (i32, i32) {
    %c0_i32 = arith.constant 0 : i32
    %c0_i32_0 = arith.constant 0 : i32
    %c0_i32_1 = arith.constant 0 : i32
    return %c0_i32, %c0_i32_0 : i32, i32
  }
  func.func @transform_2(%arg0: i32) -> (i32, i32) {
    %c0_i32 = arith.constant 0 : i32
    %c0_i32_0 = arith.constant 0 : i32
    return %arg0, %c0_i32 : i32, i32
  }
  func.func @transform_3(%arg0: i32) -> (i32, i32) {
    %c0_i32 = arith.constant 0 : i32
    %c0_i32_0 = arith.constant 0 : i32
    return %arg0, %c0_i32 : i32, i32
  }
}

module attributes {stable_mosaic.version = 14 : i64} {
  func.func @_mmscale_body(%arg0: i32, %arg1: memref<10000x128xf32, #tpu.memory_space<vmem>>, %arg2: memref<128x128xf32, #tpu.memory_space<vmem>>, %arg3: memref<2x10240xf32, #tpu.memory_space<vmem>>, %arg4: memref<10000x128xf32, #tpu.memory_space<vmem>>, %arg5: memref<10000x128xf32, #tpu.memory_space<vmem>>) attributes {dimension_semantics = [#tpu.dimension_semantics<arbitrary>], iteration_bounds = array<i64: 1>, scalar_prefetch = 0 : i64, scratch_operands = 0 : i64, tpu.core_type = #tpu.core_type<tc>, window_params = [{transform_indices = @transform_0, window_bounds = array<i64: 10000, 128>}, {pipeline_mode = #tpu.pipeline_mode<synchronous>, transform_indices = @transform_1, window_bounds = array<i64: 128, 128>}, {pipeline_mode = #tpu.pipeline_mode<synchronous>, transform_indices = @transform_2, window_bounds = array<i64: 2, 10240>}, {transform_indices = @transform_3, window_bounds = array<i64: 10000, 128>}, {transform_indices = @transform_4, window_bounds = array<i64: 10000, 128>}]} {
    %get3A = arith.constant 0 : index
    %get3A_0 = arith.constant 0 : index
    %get3A_1 = vector.load %arg1[%get3A, %get3A_0] : memref<10000x128xf32, #tpu.memory_space<vmem>>, vector<10000x128xf32>
    %get3A_2 = arith.constant 0 : index
    %get3A_3 = arith.constant 0 : index
    %get3A_4 = vector.load %arg2[%get3A_2, %get3A_3] : memref<128x128xf32, #tpu.memory_space<vmem>>, vector<128x128xf32>
    %dot_general3A = arith.constant dense<0.000000e+00> : vector<10000x128xf32>
    %dot_general3A_5 = tpu.matmul %get3A_1, %get3A_4, %dot_general3A {dimension_numbers = #tpu.dot_dimension_numbers<[1], [0], [0], [1], [0, 0, 1, 1], [], []>, transpose_lhs_hint = false} : vector<10000x128xf32>, vector<128x128xf32>, vector<10000x128xf32> -> vector<10000x128xf32>
    %swap3A = arith.constant 0 : index
    %swap3A_6 = arith.constant 0 : index
    %swap3A_7 = vector.load %arg4[%swap3A, %swap3A_6] : memref<10000x128xf32, #tpu.memory_space<vmem>>, vector<10000x128xf32>
    tpu.vector_store %arg4[%swap3A, %swap3A_6], %dot_general3A_5 {strides = array<i32>} : memref<10000x128xf32, #tpu.memory_space<vmem>>, vector<10000x128xf32>,
    %get3A_8 = arith.constant 0 : index
    %get3A_9 = arith.constant 0 : index
    %get3A_10 = vector.load %arg3[%get3A_8, %get3A_9] : memref<2x10240xf32, #tpu.memory_space<vmem>>, vector<1x10000xf32>
    %get3A_11 = vector.shape_cast %get3A_10 : vector<1x10000xf32> to vector<10000xf32>
    %get3A_12 = arith.constant 1 : index
    %get3A_13 = arith.constant 0 : index
    %get3A_14 = vector.load %arg3[%get3A_12, %get3A_13] : memref<2x10240xf32, #tpu.memory_space<vmem>>, vector<1x10000xf32>
    %get3A_15 = vector.shape_cast %get3A_14 : vector<1x10000xf32> to vector<10000xf32>
    %add3A = arith.addf %get3A_11, %get3A_15 : vector<10000xf32>
    %gt3A = arith.constant 0.000000e+00 : f32
    %gt3A_16 = vector.broadcast %gt3A : f32 to vector<10000xf32>
    %gt3A_17 = arith.cmpf ogt, %add3A, %gt3A_16 : vector<10000xf32>
    %rsqrt3A = math.rsqrt %add3A : vector<10000xf32>
    %jit3A = arith.constant 0.000000e+00 : f32
    %broadcast_in_dim3A = vector.broadcast %jit3A : f32 to vector<10000xf32>
    %select_n3A = arith.select %gt3A_17, %rsqrt3A, %broadcast_in_dim3A : vector<10000xi1>, vector<10000xf32>
    %broadcast_in_dim3A_18 = vector.shape_cast %select_n3A : vector<10000xf32> to vector<10000x1xf32>
    %mul3A = vector.broadcast %broadcast_in_dim3A_18 : vector<10000x1xf32> to vector<10000x128xf32>
    %mul3A_19 = arith.mulf %dot_general3A_5, %mul3A : vector<10000x128xf32>
    %swap3A_20 = arith.constant 0 : index
    %swap3A_21 = arith.constant 0 : index
    %swap3A_22 = vector.load %arg5[%swap3A_20, %swap3A_21] : memref<10000x128xf32, #tpu.memory_space<vmem>>, vector<10000x128xf32>
    tpu.vector_store %arg5[%swap3A_20, %swap3A_21], %mul3A_19 {strides = array<i32>} : memref<10000x128xf32, #tpu.memory_space<vmem>>, vector<10000x128xf32>,
    return
  }
  func.func @transform_0(%arg0: i32) -> (i32, i32) {
    %c0_i32 = arith.constant 0 : i32
    %c0_i32_0 = arith.constant 0 : i32
    return %arg0, %c0_i32 : i32, i32
  }
  func.func @transform_1(%arg0: i32) -> (i32, i32) {
    %c0_i32 = arith.constant 0 : i32
    %c0_i32_0 = arith.constant 0 : i32
    %c0_i32_1 = arith.constant 0 : i32
    return %c0_i32, %c0_i32_0 : i32, i32
  }
  func.func @transform_2(%arg0: i32) -> (i32, i32) {
    %c0_i32 = arith.constant 0 : i32
    %c0_i32_0 = arith.constant 0 : i32
    %c0_i32_1 = arith.constant 0 : i32
    return %c0_i32, %c0_i32_0 : i32, i32
  }
  func.func @transform_3(%arg0: i32) -> (i32, i32) {
    %c0_i32 = arith.constant 0 : i32
    %c0_i32_0 = arith.constant 0 : i32
    return %arg0, %c0_i32 : i32, i32
  }
  func.func @transform_4(%arg0: i32) -> (i32, i32) {
    %c0_i32 = arith.constant 0 : i32
    %c0_i32_0 = arith.constant 0 : i32
    return %arg0, %c0_i32 : i32, i32
  }
}

</mosaic_0001>

<sc_bundles>
// kernel: kernel.6.cloned.1.call-start
scs
__scs_entry_jumppad:
0x0: {  	(pc) =	sbr.rel $0x88, $3  }
0x1: {  	(tag) =	ssettag $0x0;
	lr =	simm.s32 $0x1  }
0x2: {  	[smem:$0x3F9E] =	sst lr;
	_ =	strace $0xD0000000  }
0x3: {  	_ = 	snop  }
0x4: {  	_ = 	snop  }
0x5: {  	_ = 	snop  }
0x6: {  	_ = 	snop  }
0x7: {  	_ = 	snop  }
__scs_overlays_trampoline_lowered:
0x8: {  	[smem:$0x3FAD] =	sst s0  }
0x9: {  	[smem:$0x3FAE] =	sst s1  }
0xa: {  	[smem:$0x3FAF] =	sst s2  }
0xb: {  	[smem:$0x3FB0] =	sst s3  }
0xc: {  	[smem:$0x3FB1] =	sst s4  }
0xd: {  	[smem:$0x3FB2] =	sst s5  }
0xe: {  	[smem:$0x3FB3] =	sst s6  }
0xf: {  	[smem:$0x3FB4] =	sst s7  }
0x10: {  	[smem:$0x3FB5] =	sst s8  }
0x11: {  	[smem:$0x3FB6] =	sst s9;
	s0 =	simm.s32 @!p0 $0x0  }
0x12: {  	s1 =	sld [smem:$0x3F9C];
	s0 =	simm.s32 @p0 $0x1  }
0x13: {  	[smem:$0x3FB7] =	sst s0;
	s0 =	simm.s32 @!p1 $0x0  }
0x14: {  	s2 =	sld [smem:$0x3F9B];
	s0 =	simm.s32 @p1 $0x1  }
0x15: {  	[smem:$0x3FB8] =	sst s0;
	s0 =	simm.s32 @!p2 $0x0  }
0x16: {  	s3 =	sld [smem:$0x3FDB];
	s0 =	simm.s32 @p2 $0x1  }
0x17: {  	s4 =	simm.s32 $0x1BF5;
	[smem:$0x3FBA] =	sst s0  }
0x18: {  	s0 =	sld [smem:$0x3F9D];
	_ =	swait.ge [sflag:s4], $0x0  }
0x19: {  	s7 =	sld [smem:$0x3F9E]  }
0x1a: {  	s8 =	sadd.s32 $0xFFFFE003, lr  }
0x1b: {  	s9 =	sadd.s32 $0xFFFFFEF7, lr;
	s5 =	simm.s32 $0xFFFFFFFF;
	p2 =	slt.u32 s8, $0xFFFFF086  }
0x1c: {  	p1 =	slt.u32 s9, $0xF7A;
	s5 =	simm.s32 @!p2 $0x0  }
0x1d: {  	s5 =	simm.s32 @p1 $0x1;
	p0 =	seq.s32 s7, s2  }
0x1e: {  	s7 =	smul.u32 @!p0 $0xF7A, s2;
	p2 =	seq.s32 @!p0 s5, $0x0  }
0x1f: {  	s9 =	smul.u32 $0xF7A, s1;
	s8 =	simm.s32 @!p0 $0x1BF5;
	p2 =	por !p2, p0  }
0x20: {  	[sflag:s8] =	ssyncset.s32 @!p0 $0xFFFFF086;
	s6 =	sadd.s32 @!p0 s3, s7;
	s7 =	simm.s32 @!p0 $0x108  }
0x21: {  	s3 =	sadd.s32 s3, s9;
	s6 =	sadd.s32 @!p0 $0x88, s6;
	s7 =	simm.s32 @p2 $0x1082  }
0x22: {  	[simem:s7], [sflag:s8] =	dma.local @!p0 [hbm:s6], $0xF7A  }
0x23: {  	s9 =	sor.u32 $0xD0000000, s2;
	s6 =	simm.s32 $0x108;
	_ =	swait.ge @!p0 [sflag:s8], $0x0  }
0x24: {  	s3 =	sadd.s32 $0x88, s3;
	s6 =	simm.s32 @!p1 $0x1082;
	[sflag:s4] =	ssyncset.s32 $0xFFFFF086  }
0x25: {  	[simem:s6], [sflag:s4] =	dma.local [hbm:s3], $0xF7A  }
0x26: {  	[smem:$0x3F9E] =	sst s1;
	(tag) =	ssettag s2;
	_ =	strace s9  }
0x27: {  	s1 =	sld [smem:$0x3FAE]  }
0x28: {  	s2 =	sld [smem:$0x3FAF]  }
0x29: {  	s4 =	sld [smem:$0x3FB1]  }
0x2a: {  	p0 =	seq.s32 s5, $0x0;
	s5 =	sld [smem:$0x3FB2]  }
0x2b: {  	s6 =	sld [smem:$0x3FB3]  }
0x2c: {  	s7 =	sld [smem:$0x3FB4]  }
0x2d: {  	s3 =	simm.s32 $0x108;
	s8 =	sld [smem:$0x3FB5]  }
0x2e: {  	s3 =	simm.s32 @!p0 $0x1082;
	s9 =	sld [smem:$0x3FB6]  }
0x2f: {  	lr =	sadd.s32 s0, s3;
	s0 =	sld [smem:$0x3FAD]  }
0x30: {  	s3 =	sld [smem:$0x3FB0]  }
0x31: {  	[smem:$0x3FB9] =	sst s10  }
0x32: {  	s10 =	sld [smem:$0x3FB7];
	_ =	sdelay $0x3  }
0x33: {  	p0 =	seq.s32 s10, $0x1;
	s10 =	sld [smem:$0x3FB9];
	_ =	sdelay $0x3  }
0x34: {  	[smem:$0x3FB9] =	sst s10  }
0x35: {  	s10 =	sld [smem:$0x3FB8];
	_ =	sdelay $0x3  }
0x36: {  	p1 =	seq.s32 s10, $0x1;
	s10 =	sld [smem:$0x3FB9];
	_ =	sdelay $0x3  }
0x37: {  	[smem:$0x3FB9] =	sst s10  }
0x38: {  	s10 =	sld [smem:$0x3FBA]  }
0x39: {  	_ = 	snop;
	(pc) =	sbr.ind lr, $3  }
0x3a: {  	_ = 	snop  }
0x3b: {  	_ = 	snop  }
0x3c: {  	p2 =	seq.s32 s10, $0x1;
	s10 =	sld [smem:$0x3FB9]  }
0x3d: {  	_ =	shalt  }
0x3e: {  	_ =	shalt  }
0x3f: {  	_ =	shalt  }
0x40: {  	_ =	shalt  }
0x41: {  	_ =	shalt  }
0x42: {  	_ =	shalt  }
0x43: {  	_ =	shalt  }
0x44: {  	_ =	shalt  }
0x45: {  	_ =	shalt  }
0x46: {  	_ =	shalt  }
0x47: {  	_ =	shalt  }
0x48: {  	_ =	shalt  }
0x49: {  	_ =	shalt  }
0x4a: {  	_ =	shalt  }
0x4b: {  	_ =	shalt  }
0x4c: {  	_ =	shalt  }
0x4d: {  	_ =	shalt  }
0x4e: {  	_ =	shalt  }
0x4f: {  	_ =	shalt  }
0x50: {  	_ =	shalt  }
0x51: {  	_ =	shalt  }
0x52: {  	_ =	shalt  }
0x53: {  	_ =	shalt  }
0x54: {  	_ =	shalt  }
0x55: {  	_ =	shalt  }
0x56: {  	_ =	shalt  }
0x57: {  	_ =	shalt  }
0x58: {  	_ =	shalt  }
0x59: {  	_ =	shalt  }
0x5a: {  	_ =	shalt  }
0x5b: {  	_ =	shalt  }
0x5c: {  	_ =	shalt  }
0x5d: {  	_ =	shalt  }
0x5e: {  	_ =	shalt  }
0x5f: {  	_ =	shalt  }
0x60: {  	_ =	shalt  }
0x61: {  	_ =	shalt  }
0x62: {  	_ =	shalt  }
0x63: {  	_ =	shalt  }
0x64: {  	_ =	shalt  }
0x65: {  	_ =	shalt  }
0x66: {  	_ =	shalt  }
0x67: {  	_ =	shalt  }
0x68: {  	_ =	shalt  }
0x69: {  	_ =	shalt  }
0x6a: {  	_ =	shalt  }
0x6b: {  	_ =	shalt  }
0x6c: {  	_ =	shalt  }
0x6d: {  	_ =	shalt  }
0x6e: {  	_ =	shalt  }
0x6f: {  	_ =	shalt  }
0x70: {  	_ =	shalt  }
0x71: {  	_ =	shalt  }
0x72: {  	_ =	shalt  }
0x73: {  	_ =	shalt  }
0x74: {  	_ =	shalt  }
0x75: {  	_ =	shalt  }
0x76: {  	_ =	shalt  }
0x77: {  	_ =	shalt  }
0x78: {  	_ =	shalt  }
0x79: {  	_ =	shalt  }
0x7a: {  	_ =	shalt  }
0x7b: {  	_ =	shalt  }
0x7c: {  	_ =	shalt  }
0x7d: {  	_ =	shalt  }
0x7e: {  	_ =	shalt  }
0x7f: {  	_ =	shalt  }
0x80: {  	_ =	shalt  }
0x81: {  	_ =	shalt  }
0x82: {  	_ =	shalt  }
0x83: {  	_ =	shalt  }
0x84: {  	_ =	shalt  }
0x85: {  	_ =	shalt  }
0x86: {  	_ =	shalt  }
0x87: {  	_ =	shalt  }
.Lfunc_end0:
.L_simem_size_0:
called_computation_lowered:
.L_overlay_start_0:
0x88: {  	s2 =	sld [smem:$0x3FD9]  }
0x89: {  	s3 =	sld [smem:$0x3FFE];
	_ =	sdelay $0x1  }
0x8a: {  	s1 =	srdreg.scid  }
0x8b: {  	s0 =	sand.u32 $0x1, s1  }
0x8c: {  	s18 =	sshll.u32 s0, $0xA;
	s2 =	sadd.s32 s3, s2  }
0x8d: {  	s2 =	sadd.s32 s2, s18  }
0x8e: {  	[smem:$0x3FC5] =	sst s2  }
0x8f: {  	_ = 	snop  }
0x90: {  	s2 =	sld [smem:$0x3FC8]  }
0x91: {  	s19 =	sld [smem:$0x3FD0];
	(tm) =	ssettm $0x1  }
0x92: {  	s4 =	sld [smem:$0x3FFB];
	_ =	sdelay $0x3  }
0x93: {  	_ =	strace s4  }
0x94: {  	s4 =	sld [smem:$0x3FFC];
	_ =	sdelay $0x3  }
0x95: {  	_ =	strace s4  }
0x96: {  	s4 =	sld [smem:$0x3FFD];
	_ =	sdelay $0x3  }
0x97: {  	_ =	strace s4  }
0x98: {  	_ =	strace $0x8FFFFFFF  }
0x99: {  	s20 =	sld [smem:$0x3FDB];
	_ =	sdelay $0x1  }
0x9a: {  	s5 =	simm.s32 $_scs_section_size  }
0x9b: {  	s6 =	simm.s32 $_size__tile_overlayer_lowered;
	s7 =	simm.s32 $_tile_overlayer_lowered  }
0x9c: {  	s23 =	simm.s32 $0x1BFF;
	s22 =	sshll.u32 s7, $0x1;
	s4 =	sadd.s32 s5, s20  }
0x9d: {  	s8 =	simm.s32 $0x0;
	s21 =	sshll.u32 s6, $0x1;
	s6 =	sadd.s32 s22, s4  }
0x9e: {  	[timem:s8], [sflag:s23] =	dma.local [hbm:s6], s21  }
0x9f: {  	_ =	swait.ge [sflag:s23], s21  }
0xa0: {  	s5 =	ssub.s32 $0x0, s21;
	[sflag:s23] =	ssyncset.done $0x0  }
0xa1: {  	[sflag:s23] =	ssyncadd.s32 s5;
	_ =	sdelay $0x1  }
0xa2: {  	s24 =	simm.s32 $0x1B8B  }
0xa3: {  	_ =	swait.ge [sflag:s24], $0x1  }
0xa4: {  	[sflag:s24] =	ssyncset.done $0x0  }
0xa5: {  	s25 =	simm.s32 $0x1B8E;
	[sflag:s24] =	ssyncadd.s32 $0xFFFFFFFF  }
0xa6: {  	s26 =	simm.s32 $execute0_lowered;
	[smem:$0x3FD2] =	sst s25  }
0xa7: {  	s5 =	sshll.u32 s26, $0x1;
	_ =	strace $0x80000046;
	[dreg:$0x1] =	wrdreg $0xFFFFFFFF  }
0xa8: {  	s28 =	simm.s32 $_size_execute0_lowered;
	s4 =	sadd.s32 s4, s5;
	[dreg:$0x0] =	wrdreg $0x0  }
0xa9: {  	s5 =	sshll.u32 s28, $0x1;
	[dreg:$0x2] =	wrdreg s4  }
0xaa: {  	[dreg:$0x3] =	wrdreg s5  }
0xab: {  	[dreg:$0x4] =	wrdreg $0xC0  }
0xac: {  	_ =	task [dreg:s8], $0x5FFFF  }
0xad: {  	[dreg:$0x1] =	wrdreg $0xFFFFFFFF  }
0xae: {  	[dreg:$0x0] =	wrdreg $0x60  }
0xaf: {  	[dreg:$0x2] =	wrdreg s2  }
0xb0: {  	[dreg:$0x3] =	wrdreg s19  }
0xb1: {  	[dreg:$0x4] =	wrdreg $0x7C000  }
0xb2: {  	[dreg:$0x5] =	wrdreg $0x9  }
0xb3: {  	_ =	task.clear_ibuf [dreg:s8], $0x6FFFF;
	_ =	strace $0x90000046  }
0xb4: {  	s29 =	simm.s32 $0x9;
	_ =	strace $0x80000048  }
0xb5: {  	_ =	swait.ge [sflag:s29], $0x1  }
0xb6: {  	[sflag:s29] =	ssyncadd.s32 $0xFFFFFFFF  }
0xb7: {  	_ =	strace $0x90000048  }
0xb8: {  	_ =	sfence  }
0xb9: {  	s30 =	sld [smem:$0x0];
	_ =	sdelay $0x2  }
0xba: {  	s31 =	sshll.u32 s1, $0xD;
	s1 =	sshrl.u32 s1, $0x2  }
0xbb: {  	s3 =	sand.u32 $0x4000, s31;
	s1 =	sadd.s32 s1, s30  }
0xbc: {  	s0 =	sor.u32 s3, s0;
	s1 =	sshll.u32 s1, $0x11  }
0xbd: {  	s0 =	sor.u32 s1, s0  }
0xbe: {  	s0 =	sadd.s32 $0x8F2B, s0  }
0xbf: {  	[sflag:s0] =	ssyncadd.remote.s32 $0x1  }
0xc0: {  	_ =	sfence.sel $0xFFFF  }
0xc1: {  	[dreg:$0x0] =	wrdreg $0xFFFFFFFF;
	(pc) =	sbr.abs _section_cstart, $3  }
0xc2: {  	[dreg:$0x1] =	wrdreg $0xFFFFFFFF  }
0xc3: {  	_ =	task.clear_ibuf [dreg:s8], $0x2FFFF;
	_ =	strace $0x9FFFFFFF  }
0xc4: {  	(tm) =	ssettm $0x7FFFFFFF  }
0xc5: {  	_ =	shalt  }
tec
execute0_lowered:
.L_overlay_start_1:
0x0: {  	(tag) =	ssettag $0x1  }
0x1: {  	s3 =	rddreg [dreg:$0x0]  }
0x2: {  	s6 =	rddreg [dreg:$0x1]  }
0x3: {  	s0 =	srdreg.scid;
	s5 =	rddreg [dreg:$0x2]  }
0x4: {  	s1 =	stileid.u32;
	s2 =	simm.s32 $0x0;
	s15 =	simm.s32 $0x7700  }
0x5: {  	s4 =	sand.u32 $0x1, s0;
	s0 =	rddreg [dreg:$0x3];
	s11 =	smul.u32 $0x5000, s1  }
0x6: {  	s16 =	simm.s32 $0x100;
	[smem:$0x7FF] =	sst s2;
	s12 =	smul.u32 $0x2710, s1  }
0x7: {  	s10 =	sshrl.u32 s1, $0x3;
	s24 =	sshll.u32 s1, $0x7;
	s13 =	smul.u32 $0x500, s1  }
0x8: {  	s7 =	sshll.u32 s4, $0x4;
	s8 =	ssub.s32 $0x2, s4;
	_ =	strace $0x80000047  }
0x9: {  	s23 =	smul.u32 $0x50000, s10;
	s10 =	sand.u32 $0x380, s24;
	s14 =	sshll.u32 s4, $0x7  }
0xa: {  	s7 =	sor.u32 s1, s7;
	s9 =	sshrl.u32 s8, $0x1;
	s25 =	ssub.s32 s12, s14  }
0xb: {  	s26 =	sshrl.u32 s11, $0x2;
	s28 =	sor.u32 s14, s13;
	s7 =	smul.u32 $0x2710, s7  }
0xc: {  	s11 =	simm.s32 $0x4F00;
	s12 =	simm.s32 $0x80;
	s13 =	simm.s32 $0x400  }
0xd: {  	s14 =	simm.s32 $0x7980;
	s8 =	ssub.s32 s8, s9;
	s7 =	sshrl.u32 s7, $0x2  }
0xe: {  	s9 =	sshrl.u32 s23, $0x2;
	s29 =	sshrl.u32 s28, $0x3;
	s7 =	sand.u32 $0x1FFE0, s7  }
0xf: {  	s9 =	sadd.s32 s9, s5;
	s3 =	sadd.s32 s3, s7;
	s7 =	sshrl.u32 s25, $0x4  }
0x10: {  	s5 =	sadd.s32 s26, s5;
	s6 =	sadd.s32 s6, s29;
	s30 =	sand.u32 $0x7, s7  }
0x11: {  	s4 =	sadd.s32 s10, s9;
	s10 =	simm.s32 $0x1;
	s31 =	sshll.u32 s30, $0x4  }
0x12: {  	v0 =	vimm.f32 $0.0e+00;
	v1 =	vimm.f32 $1.000000000e+00;
	s7 =	smax.u32 s8, $0x1;
	s8 =	sshll.u32 s30, $0x5;
	s9 =	sadd.s32 $0x40, s31  }
.LBB2_1:
0x13: {  	s17 =	simm.s32 $0x40;
	s18 =	simm.s32 $0x0  }
.LBB2_2:
0x14: {  	p0 =	sne.s32 s17, $0x9FC0;
	[tilespmem:s18+$0x4F00] =	vst v0;
	s18 =	smov.u32 s17;
	s17 =	sadd.s32 $0x40, s17  }
.Ltmp0:
0x15: {  	(pc) =	sbr.rel @p0 .LBB2_2-.Ltmp0, $2  }
0x16: {  	_ =	sdelay $0x2  }
0x17: {  	s18 =	sshra.s32 s18, $0x2  }
0x18: {  	[tilespmem:s18+$0x4F00] =	vst v0;
	s17 =	simm.s32 $0x0  }
0x19: {  	[tilespmem:s17], [sflag:$0x1] =	stream.linear.gather [hbm4b:s3+s17], $0x4F00, $0x38;
	[tilespmem:$0xA400] =	vst v63  }
0x1a: {  	_ =	swait.ge [sflag:s10], $0x4F00  }
0x1b: {  	[sflag:s10] =	ssyncset.done $0x0  }
0x1c: {  	s18 =	smov.u32 s9;
	[sflag:s10] =	ssyncadd.s32 $0xFFFFB100  }
.LBB2_4:
0x1d: {  	s19 =	sadd.s32 $0xFFFFFFC0, s18;
	s20 =	sadd.s32 s17, s8  }
0x1e: {  	s19 =	sand.u32 $0x70, s19;
	s21 =	sand.u32 $0xFF00, s20  }
0x1f: {  	s19 =	sor.u32 s19, s21  }
0x20: {  	v2 =	vld [tilespmem:s19+$0x0];
	_ =	sdelay $0x5  }
0x21: {  	s23 =	sadd.s32 $0xFFFFFFD0, s18;
	s24 =	sadd.s32 $0x20, s20  }
0x22: {  	s21 =	sand.u32 $0x1FF00, s24;
	s19 =	sand.u32 $0x70, s23  }
0x23: {  	s19 =	sor.u32 s19, s21;
	[tilespmem:v2+s11+$0x0] =	vst.idx.add.f32.msk $0xffff, v1  }
0x24: {  	v2 =	vld [tilespmem:s19+$0x0];
	_ =	sdelay $0x5  }
0x25: {  	s25 =	sadd.s32 $0xFFFFFFE0, s18;
	s26 =	sadd.s32 $0x40, s20  }
0x26: {  	s21 =	sand.u32 $0x1FF00, s26;
	s19 =	sand.u32 $0x70, s25  }
0x27: {  	s19 =	sor.u32 s19, s21;
	[tilespmem:v2+s11+$0x0] =	vst.idx.add.f32.msk $0xffff, v1  }
0x28: {  	v2 =	vld [tilespmem:s19+$0x0];
	_ =	sdelay $0x5  }
0x29: {  	s28 =	sadd.s32 $0xFFFFFFF0, s18;
	s29 =	sadd.s32 $0x60, s20  }
0x2a: {  	s21 =	sand.u32 $0x1FF00, s29;
	s19 =	sand.u32 $0x70, s28  }
0x2b: {  	s19 =	sor.u32 s19, s21;
	[tilespmem:v2+s11+$0x0] =	vst.idx.add.f32.msk $0xffff, v1  }
0x2c: {  	v2 =	vld [tilespmem:s19+$0x0];
	_ =	sdelay $0x5  }
0x2d: {  	s30 =	sadd.s32 $0x80, s20  }
0x2e: {  	s31 =	sand.u32 $0x70, s18;
	s19 =	sand.u32 $0x1FF00, s30  }
0x2f: {  	s19 =	sor.u32 s31, s19;
	[tilespmem:v2+s11+$0x0] =	vst.idx.add.f32.msk $0xffff, v1  }
0x30: {  	v2 =	vld [tilespmem:s19+$0x0];
	_ =	sdelay $0x2  }
0x31: {  	p0 =	sne.s32 s17, $0x4D80  }
.Ltmp1:
0x32: {  	_ = 	snop;
	(pc) =	sbr.rel @p0 .LBB2_4-.Ltmp1, $2  }
0x33: {  	_ =	sdelay $0x2  }
0x34: {  	s18 =	sadd.s32 $0x50, s18;
	s17 =	sadd.s32 $0xA0, s17;
	[tilespmem:v2+s11+$0x0] =	vst.idx.add.f32.msk $0xffff, v1  }
0x35: {  	[spmem:s4] =	stream.strided.scatter [tilespmem:s11], [sflag:$0x1], $0x2800, s13, s12, $0x38;
	[tilespmem:$0xA400] =	vst v63  }
0x36: {  	s17 =	simm.s32 $0x1  }
0x37: {  	_ =	swait.ge [sflag:s17], $0x2800  }
0x38: {  	[sflag:s17] =	ssyncset.done $0x0  }
0x39: {  	[sflag:s17] =	ssyncadd.s32 $0xFFFFD800  }
0x3a: {  	[bflag:$0x0] =	sbarrier.arrive $0xFFFF  }
0x3b: {  	[tilespmem:s14], [sflag:$0x1] =	stream.strided.gather [spmem:s5], $0x280, s13, s12, $0x38;
	[tilespmem:$0xA400] =	vst v63  }
0x3c: {  	_ =	swait.ge [sflag:s17], $0x280  }
0x3d: {  	[sflag:s17] =	ssyncset.done $0x0  }
0x3e: {  	[sflag:s17] =	ssyncadd.s32 $0xFFFFFD80  }
.LBB2_6:
0x3f: {  	s18 =	sshrl.u32 s17, $0x3  }
0x40: {  	s18 =	smul.u32 $0x50000, s18;
	_ =	sdelay $0x1  }
0x41: {  	s19 =	sshll.u32 s17, $0x7;
	s18 =	sshra.s32 s18, $0x2  }
0x42: {  	s19 =	sand.u32 $0x380, s19;
	s18 =	sadd.s32 s18, s5  }
0x43: {  	s18 =	sadd.s32 s19, s18  }
0x44: {  	[tilespmem:s15], [sflag:$0x1] =	stream.strided.gather [spmem:s18], $0x280, s13, s12, $0x38;
	[tilespmem:$0xA400] =	vst v63  }
0x45: {  	_ =	swait.ge [sflag:s10], $0x280  }
0x46: {  	[sflag:s10] =	ssyncset.done $0x0  }
0x47: {  	s18 =	simm.s32 $0x0;
	[sflag:s10] =	ssyncadd.s32 $0xFFFFFD80  }
0x48: {  	s19 =	simm.s32 $0x40;
	v2 =	vld [tilespmem:s18+$0x7700]  }
.LBB2_7:
0x49: {  	p0 =	sne.s32 s19, $0x9C0;
	v3 =	vld [tilespmem:s18+$0x7980];
	_ =	sdelay $0x2  }
.Ltmp2:
0x4a: {  	(pc) =	sbr.rel @p0 .LBB2_7-.Ltmp2, $4  }
0x4b: {  	_ = 	snop  }
0x4c: {  	v3 =	vadd.f32 v2, v3  }
0x4d: {  	s20 =	sshra.s32 s19, $0x2  }
0x4e: {  	s19 =	sadd.s32 $0x40, s19;
	v2 =	vld [tilespmem:s20+$0x7700];
	[tilespmem:s18+$0x7980] =	vst v3;
	s18 =	smov.u32 s20  }
0x4f: {  	v3 =	vld [tilespmem:s18+$0x7980]  }
0x50: {  	s17 =	sadd.s32 $0x1, s17  }
0x51: {  	p0 =	sne.s32 s17, $0x10  }
.Ltmp3:
0x52: {  	_ = 	snop;
	(pc) =	sbr.rel @p0 .LBB2_6-.Ltmp3, $3  }
0x53: {  	_ = 	snop  }
0x54: {  	v2 =	vadd.f32 v2, v3;
	_ =	sdelay $0x1  }
0x55: {  	[tilespmem:s18+$0x7980] =	vst v2  }
0x56: {  	s2 =	sadd.s32 $0x1, s2  }
0x57: {  	p0 =	sne.s32 s2, s7  }
.Ltmp4:
0x58: {  	_ = 	snop;
	(pc) =	sbr.rel @p0 .LBB2_1-.Ltmp4, $4  }
0x59: {  	[hbm4b:s6+s12] =	stream.strided.scatter [tilespmem:s14], [sflag:$0x1], $0x280, s16, s12, $0x38;
	[tilespmem:$0xA400] =	vst v63  }
0x5a: {  	_ =	swait.ge [sflag:s10], $0x280  }
0x5b: {  	[sflag:s10] =	ssyncset.done $0x0  }
0x5c: {  	[sflag:s10] =	ssyncadd.s32 $0xFFFFFD80  }
0x5d: {  	_ =	sfence.sel $0x180000  }
0x5e: {  	[bflag:$0x0] =	sbarrier.arrive $0xFFFF  }
0x5f: {  	p0 =	sne.s32 s1, $0x0;
	_ =	strace $0x90000047  }
0x60: {  	s0 =	sadd.s32 @!p0 $0x100000, s0;
	[bflag:$0x2] =	sbarrier.arrive $0xFFFF  }
0x61: {  	[sflag:s0] =	ssyncadd.tile.s32 @!p0 $0x1;
	_ =	shalt  }
.Lfunc_end2:
_tile_overlayer_lowered:
.L_overlay_start_2:
0x62: {  	(tag) =	ssettag $0x2  }
0x63: {  	s0 =	rddreg [dreg:$0x0];
	s2 =	stileid.u32  }
0x64: {  	s1 =	rddreg [dreg:$0x1];
	p0 =	sne.s32 s2, $0x0  }
0x65: {  	s3 =	rddreg [dreg:$0x2];
	[bflag:$0x3] =	sbarrier.arrive $0xFFFF;
	s2 =	simm.s32 @!p0 $0x1C01  }
0x66: {  	[timem:s3], [sflag:s2] =	dma.local @!p0 [hbm:s0], s1  }
0x67: {  	s0 =	simm.s32 @!p0 $0x1  }
0x68: {  	_ =	swait.ge @!p0 [sflag:s0], s1  }
0x69: {  	s1 =	ssub.s32 @!p0 $0x0, s1;
	[sflag:s0] =	ssyncset.done @!p0 $0x0  }
0x6a: {  	[sflag:s0] =	ssyncadd.s32 @!p0 s1  }
0x6b: {  	[bflag:$0x3] =	sbarrier.arrive $0xFFFF  }
0x6c: {  	_ =	shalt  }

// kernel: kernel.9.cloned.1.call-start
scs
__scs_entry_jumppad:
0x0: {  	(pc) =	sbr.rel $0x88, $3  }
0x1: {  	(tag) =	ssettag $0x0;
	lr =	simm.s32 $0x1  }
0x2: {  	[smem:$0x3F9E] =	sst lr;
	_ =	strace $0xD0000000  }
0x3: {  	_ = 	snop  }
0x4: {  	_ = 	snop  }
0x5: {  	_ = 	snop  }
0x6: {  	_ = 	snop  }
0x7: {  	_ = 	snop  }
__scs_overlays_trampoline_lowered:
0x8: {  	[smem:$0x3FAD] =	sst s0  }
0x9: {  	[smem:$0x3FAE] =	sst s1  }
0xa: {  	[smem:$0x3FAF] =	sst s2  }
0xb: {  	[smem:$0x3FB0] =	sst s3  }
0xc: {  	[smem:$0x3FB1] =	sst s4  }
0xd: {  	[smem:$0x3FB2] =	sst s5  }
0xe: {  	[smem:$0x3FB3] =	sst s6  }
0xf: {  	[smem:$0x3FB4] =	sst s7  }
0x10: {  	[smem:$0x3FB5] =	sst s8  }
0x11: {  	[smem:$0x3FB6] =	sst s9;
	s0 =	simm.s32 @!p0 $0x0  }
0x12: {  	s1 =	sld [smem:$0x3F9C];
	s0 =	simm.s32 @p0 $0x1  }
0x13: {  	[smem:$0x3FB7] =	sst s0;
	s0 =	simm.s32 @!p1 $0x0  }
0x14: {  	s2 =	sld [smem:$0x3F9B];
	s0 =	simm.s32 @p1 $0x1  }
0x15: {  	[smem:$0x3FB8] =	sst s0;
	s0 =	simm.s32 @!p2 $0x0  }
0x16: {  	s3 =	sld [smem:$0x3FDB];
	s0 =	simm.s32 @p2 $0x1  }
0x17: {  	s4 =	simm.s32 $0x1BF5;
	[smem:$0x3FBA] =	sst s0  }
0x18: {  	s0 =	sld [smem:$0x3F9D];
	_ =	swait.ge [sflag:s4], $0x0  }
0x19: {  	s7 =	sld [smem:$0x3F9E]  }
0x1a: {  	s8 =	sadd.s32 $0xFFFFE003, lr  }
0x1b: {  	s9 =	sadd.s32 $0xFFFFFEF7, lr;
	s5 =	simm.s32 $0xFFFFFFFF;
	p2 =	slt.u32 s8, $0xFFFFF086  }
0x1c: {  	p1 =	slt.u32 s9, $0xF7A;
	s5 =	simm.s32 @!p2 $0x0  }
0x1d: {  	s5 =	simm.s32 @p1 $0x1;
	p0 =	seq.s32 s7, s2  }
0x1e: {  	s7 =	smul.u32 @!p0 $0xF7A, s2;
	p2 =	seq.s32 @!p0 s5, $0x0  }
0x1f: {  	s9 =	smul.u32 $0xF7A, s1;
	s8 =	simm.s32 @!p0 $0x1BF5;
	p2 =	por !p2, p0  }
0x20: {  	[sflag:s8] =	ssyncset.s32 @!p0 $0xFFFFF086;
	s6 =	sadd.s32 @!p0 s3, s7;
	s7 =	simm.s32 @!p0 $0x108  }
0x21: {  	s3 =	sadd.s32 s3, s9;
	s6 =	sadd.s32 @!p0 $0x88, s6;
	s7 =	simm.s32 @p2 $0x1082  }
0x22: {  	[simem:s7], [sflag:s8] =	dma.local @!p0 [hbm:s6], $0xF7A  }
0x23: {  	s9 =	sor.u32 $0xD0000000, s2;
	s6 =	simm.s32 $0x108;
	_ =	swait.ge @!p0 [sflag:s8], $0x0  }
0x24: {  	s3 =	sadd.s32 $0x88, s3;
	s6 =	simm.s32 @!p1 $0x1082;
	[sflag:s4] =	ssyncset.s32 $0xFFFFF086  }
0x25: {  	[simem:s6], [sflag:s4] =	dma.local [hbm:s3], $0xF7A  }
0x26: {  	[smem:$0x3F9E] =	sst s1;
	(tag) =	ssettag s2;
	_ =	strace s9  }
0x27: {  	s1 =	sld [smem:$0x3FAE]  }
0x28: {  	s2 =	sld [smem:$0x3FAF]  }
0x29: {  	s4 =	sld [smem:$0x3FB1]  }
0x2a: {  	p0 =	seq.s32 s5, $0x0;
	s5 =	sld [smem:$0x3FB2]  }
0x2b: {  	s6 =	sld [smem:$0x3FB3]  }
0x2c: {  	s7 =	sld [smem:$0x3FB4]  }
0x2d: {  	s3 =	simm.s32 $0x108;
	s8 =	sld [smem:$0x3FB5]  }
0x2e: {  	s3 =	simm.s32 @!p0 $0x1082;
	s9 =	sld [smem:$0x3FB6]  }
0x2f: {  	lr =	sadd.s32 s0, s3;
	s0 =	sld [smem:$0x3FAD]  }
0x30: {  	s3 =	sld [smem:$0x3FB0]  }
0x31: {  	[smem:$0x3FB9] =	sst s10  }
0x32: {  	s10 =	sld [smem:$0x3FB7];
	_ =	sdelay $0x3  }
0x33: {  	p0 =	seq.s32 s10, $0x1;
	s10 =	sld [smem:$0x3FB9];
	_ =	sdelay $0x3  }
0x34: {  	[smem:$0x3FB9] =	sst s10  }
0x35: {  	s10 =	sld [smem:$0x3FB8];
	_ =	sdelay $0x3  }
0x36: {  	p1 =	seq.s32 s10, $0x1;
	s10 =	sld [smem:$0x3FB9];
	_ =	sdelay $0x3  }
0x37: {  	[smem:$0x3FB9] =	sst s10  }
0x38: {  	s10 =	sld [smem:$0x3FBA]  }
0x39: {  	_ = 	snop;
	(pc) =	sbr.ind lr, $3  }
0x3a: {  	_ = 	snop  }
0x3b: {  	_ = 	snop  }
0x3c: {  	p2 =	seq.s32 s10, $0x1;
	s10 =	sld [smem:$0x3FB9]  }
0x3d: {  	_ =	shalt  }
0x3e: {  	_ =	shalt  }
0x3f: {  	_ =	shalt  }
0x40: {  	_ =	shalt  }
0x41: {  	_ =	shalt  }
0x42: {  	_ =	shalt  }
0x43: {  	_ =	shalt  }
0x44: {  	_ =	shalt  }
0x45: {  	_ =	shalt  }
0x46: {  	_ =	shalt  }
0x47: {  	_ =	shalt  }
0x48: {  	_ =	shalt  }
0x49: {  	_ =	shalt  }
0x4a: {  	_ =	shalt  }
0x4b: {  	_ =	shalt  }
0x4c: {  	_ =	shalt  }
0x4d: {  	_ =	shalt  }
0x4e: {  	_ =	shalt  }
0x4f: {  	_ =	shalt  }
0x50: {  	_ =	shalt  }
0x51: {  	_ =	shalt  }
0x52: {  	_ =	shalt  }
0x53: {  	_ =	shalt  }
0x54: {  	_ =	shalt  }
0x55: {  	_ =	shalt  }
0x56: {  	_ =	shalt  }
0x57: {  	_ =	shalt  }
0x58: {  	_ =	shalt  }
0x59: {  	_ =	shalt  }
0x5a: {  	_ =	shalt  }
0x5b: {  	_ =	shalt  }
0x5c: {  	_ =	shalt  }
0x5d: {  	_ =	shalt  }
0x5e: {  	_ =	shalt  }
0x5f: {  	_ =	shalt  }
0x60: {  	_ =	shalt  }
0x61: {  	_ =	shalt  }
0x62: {  	_ =	shalt  }
0x63: {  	_ =	shalt  }
0x64: {  	_ =	shalt  }
0x65: {  	_ =	shalt  }
0x66: {  	_ =	shalt  }
0x67: {  	_ =	shalt  }
0x68: {  	_ =	shalt  }
0x69: {  	_ =	shalt  }
0x6a: {  	_ =	shalt  }
0x6b: {  	_ =	shalt  }
0x6c: {  	_ =	shalt  }
0x6d: {  	_ =	shalt  }
0x6e: {  	_ =	shalt  }
0x6f: {  	_ =	shalt  }
0x70: {  	_ =	shalt  }
0x71: {  	_ =	shalt  }
0x72: {  	_ =	shalt  }
0x73: {  	_ =	shalt  }
0x74: {  	_ =	shalt  }
0x75: {  	_ =	shalt  }
0x76: {  	_ =	shalt  }
0x77: {  	_ =	shalt  }
0x78: {  	_ =	shalt  }
0x79: {  	_ =	shalt  }
0x7a: {  	_ =	shalt  }
0x7b: {  	_ =	shalt  }
0x7c: {  	_ =	shalt  }
0x7d: {  	_ =	shalt  }
0x7e: {  	_ =	shalt  }
0x7f: {  	_ =	shalt  }
0x80: {  	_ =	shalt  }
0x81: {  	_ =	shalt  }
0x82: {  	_ =	shalt  }
0x83: {  	_ =	shalt  }
0x84: {  	_ =	shalt  }
0x85: {  	_ =	shalt  }
0x86: {  	_ =	shalt  }
0x87: {  	_ =	shalt  }
.Lfunc_end0:
.L_simem_size_0:
called_computation.1_lowered:
.L_overlay_start_0:
0x88: {  	s2 =	sld [smem:$0x3FD9]  }
0x89: {  	s3 =	sld [smem:$0x3FFE];
	_ =	sdelay $0x1  }
0x8a: {  	s1 =	srdreg.scid  }
0x8b: {  	s0 =	sand.u32 $0x1, s1  }
0x8c: {  	s17 =	sshll.u32 s0, $0xA;
	s2 =	sadd.s32 s3, s2  }
0x8d: {  	s2 =	sadd.s32 s2, s17  }
0x8e: {  	[smem:$0x3FC5] =	sst s2  }
0x8f: {  	_ = 	snop  }
0x90: {  	s2 =	sld [smem:$0x3FD0];
	(tm) =	ssettm $0x1  }
0x91: {  	s18 =	sld [smem:$0x3FFB];
	_ =	sdelay $0x3  }
0x92: {  	_ =	strace s18  }
0x93: {  	s3 =	sld [smem:$0x3FFC];
	_ =	sdelay $0x3  }
0x94: {  	_ =	strace s3  }
0x95: {  	s3 =	sld [smem:$0x3FFD];
	_ =	sdelay $0x3  }
0x96: {  	_ =	strace s3  }
0x97: {  	_ =	strace $0x8FFFFFFF  }
0x98: {  	s19 =	sld [smem:$0x3FDB];
	_ =	sdelay $0x1  }
0x99: {  	s4 =	simm.s32 $_scs_section_size  }
0x9a: {  	s5 =	simm.s32 $_size__tile_overlayer_lowered;
	s6 =	simm.s32 $_tile_overlayer_lowered  }
0x9b: {  	s22 =	simm.s32 $0x1BFF;
	s21 =	sshll.u32 s6, $0x1;
	s3 =	sadd.s32 s4, s19  }
0x9c: {  	s7 =	simm.s32 $0x0;
	s20 =	sshll.u32 s5, $0x1;
	s5 =	sadd.s32 s21, s3  }
0x9d: {  	[timem:s7], [sflag:s22] =	dma.local [hbm:s5], s20  }
0x9e: {  	_ =	swait.ge [sflag:s22], s20  }
0x9f: {  	s4 =	ssub.s32 $0x0, s20;
	[sflag:s22] =	ssyncset.done $0x0  }
0xa0: {  	[sflag:s22] =	ssyncadd.s32 s4;
	_ =	sdelay $0x1  }
0xa1: {  	s23 =	simm.s32 $0x1B8B  }
0xa2: {  	_ =	swait.ge [sflag:s23], $0x1  }
0xa3: {  	[sflag:s23] =	ssyncset.done $0x0  }
0xa4: {  	s25 =	simm.s32 $0x1B8E;
	s24 =	sld [smem:$0x3FFE];
	[sflag:s23] =	ssyncadd.s32 $0xFFFFFFFF  }
0xa5: {  	s26 =	simm.s32 $execute0_lowered;
	[smem:$0x3FD2] =	sst s25  }
0xa6: {  	s5 =	sshll.u32 s26, $0x1;
	_ =	strace $0x80000049;
	[dreg:$0x1] =	wrdreg $0xFFFFFFFF  }
0xa7: {  	s28 =	simm.s32 $_size_execute0_lowered;
	s3 =	sadd.s32 s3, s5;
	[dreg:$0x0] =	wrdreg $0x0  }
0xa8: {  	s5 =	sshll.u32 s28, $0x1;
	[dreg:$0x2] =	wrdreg s3  }
0xa9: {  	[dreg:$0x3] =	wrdreg s5  }
0xaa: {  	[dreg:$0x4] =	wrdreg $0xC0  }
0xab: {  	_ =	task [dreg:s7], $0x5FFFF  }
0xac: {  	[dreg:$0x1] =	wrdreg $0xFFFFFFFF  }
0xad: {  	[dreg:$0x0] =	wrdreg $0x60  }
0xae: {  	[dreg:$0x2] =	wrdreg s2  }
0xaf: {  	[dreg:$0x3] =	wrdreg s24  }
0xb0: {  	[dreg:$0x4] =	wrdreg $0xAF000  }
0xb1: {  	[dreg:$0x5] =	wrdreg $0x9  }
0xb2: {  	_ =	task.clear_ibuf [dreg:s7], $0x6FFFF;
	_ =	strace $0x90000049  }
0xb3: {  	s29 =	simm.s32 $0x9;
	_ =	strace $0x8000004B  }
0xb4: {  	_ =	swait.ge [sflag:s29], $0x1  }
0xb5: {  	[sflag:s29] =	ssyncadd.s32 $0xFFFFFFFF  }
0xb6: {  	_ =	strace $0x9000004B  }
0xb7: {  	_ =	sfence  }
0xb8: {  	s30 =	sld [smem:$0x0];
	_ =	sdelay $0x2  }
0xb9: {  	s31 =	sshll.u32 s1, $0xD;
	s1 =	sshrl.u32 s1, $0x2  }
0xba: {  	s3 =	sand.u32 $0x4000, s31;
	s1 =	sadd.s32 s1, s30  }
0xbb: {  	s0 =	sor.u32 s3, s0;
	s1 =	sshll.u32 s1, $0x11  }
0xbc: {  	s0 =	sor.u32 s1, s0  }
0xbd: {  	s0 =	sadd.s32 $0x8F2B, s0  }
0xbe: {  	[sflag:s0] =	ssyncadd.remote.s32 $0x1  }
0xbf: {  	_ =	sfence.sel $0xFFFF  }
0xc0: {  	[dreg:$0x0] =	wrdreg $0xFFFFFFFF;
	(pc) =	sbr.abs _section_cstart, $3  }
0xc1: {  	[dreg:$0x1] =	wrdreg $0xFFFFFFFF  }
0xc2: {  	_ =	task.clear_ibuf [dreg:s7], $0x2FFFF;
	_ =	strace $0x9FFFFFFF  }
0xc3: {  	(tm) =	ssettm $0x7FFFFFFF  }
tec
execute0_lowered:
.L_overlay_start_1:
0x0: {  	(tag) =	ssettag $0x1  }
0x1: {  	s1 =	rddreg [dreg:$0x0]  }
0x2: {  	s0 =	srdreg.scid;
	s5 =	rddreg [dreg:$0x1]  }
0x3: {  	s8 =	stileid.u32;
	s3 =	rddreg [dreg:$0x2]  }
0x4: {  	s4 =	simm.s32 $0x0;
	s20 =	simm.s32 $0x4F00;
	s21 =	simm.s32 $0x4  }
0x5: {  	s22 =	simm.s32 $0x1;
	s23 =	simm.s32 $0x60;
	s24 =	simm.s32 $0x7F00  }
0x6: {  	s25 =	simm.s32 $0x2;
	s26 =	simm.s32 $0x3;
	s31 =	simm.s32 $0x10  }
0x7: {  	s19 =	simm.s32 $0x0;
	s0 =	sand.u32 $0x1, s0;
	s7 =	smul.u32 $0x14000, s8  }
0x8: {  	[smem:$0x7FF] =	sst s4;
	s2 =	sshll.u32 s0, $0x4;
	s6 =	smul.u32 $0x140000, s0  }
0x9: {  	s0 =	ssub.s32 $0x2, s0;
	s2 =	sor.u32 s8, s2;
	s8 =	smul.u32 $0x50000, s8  }
0xa: {  	s29 =	sshrl.u32 s0, $0x1;
	s2 =	smul.u32 $0x2710, s2;
	s6 =	sadd.s32 s7, s6  }
0xb: {  	_ =	strace $0x8000004A;
	s0 =	ssub.s32 s0, s29;
	s6 =	sshrl.u32 s6, $0x3  }
0xc: {  	s30 =	sshrl.u32 s8, $0x2;
	s2 =	sshrl.u32 s2, $0x3;
	s9 =	sadd.s32 s6, s5  }
0xd: {  	s7 =	sadd.s32 s30, s3;
	s2 =	sadd.s32 s2, s5;
	s8 =	sadd.s32 $0x15600, s9  }
0xe: {  	s9 =	smax.u32 s0, $0x1;
	s10 =	sadd.s32 $0x2000, s7;
	s11 =	sadd.s32 $0x4000, s7  }
0xf: {  	s12 =	sadd.s32 $0x6000, s7;
	s13 =	sadd.s32 $0x8000, s7;
	s14 =	sadd.s32 $0xA000, s7  }
0x10: {  	s15 =	sadd.s32 $0xC000, s7;
	s16 =	sadd.s32 $0xE000, s7;
	s17 =	sadd.s32 $0x10000, s7  }
0x11: {  	v0 =	vimm.f32 $0.0e+00;
	s18 =	sadd.s32 $0x12000, s7;
	s5 =	sadd.s32 $0x1C00, s2;
	s6 =	sadd.s32 $0xB840, s2  }
.LBB2_1:
0x12: {  	[tilespmem:s4], [sflag:$0x1] =	stream.linear.gather [hbm4b:s5+s4], $0x2710, $0x38;
	[tilespmem:$0x1EF00] =	vst v63  }
0x13: {  	s28 =	sand.u32 $0x7E00, s4  }
0x14: {  	s0 =	simm.s32 $0x2780;
	s29 =	sand.u32 $0x70, s4;
	s30 =	sshrl.u32 s28, $0x2  }
0x15: {  	[tilespmem:s0], [sflag:$0x1] =	stream.linear.gather [hbm4b:s6+s4], $0x2710, $0x38;
	[tilespmem:$0x1EF00] =	vst v63  }
0x16: {  	s28 =	simm.s32 $0x40;
	s30 =	sor.u32 s29, s30;
	s29 =	simm.s32 $0x0  }
.LBB2_2:
0x17: {  	p0 =	sne.s32 s28, $0x7FC0  }
0x18: {  	[tilespmem:s30+$0x4F00] =	vst v0;
	s29 =	sadd.s32 $0x10, s29;
	s30 =	smov.u32 s28;
	s28 =	sadd.s32 $0x40, s28  }
.Ltmp0:
0x19: {  	(pc) =	sbr.rel @p0 .LBB2_2-.Ltmp0, $4  }
0x1a: {  	_ = 	snop  }
0x1b: {  	s30 =	sand.u32 $0x7E00, s30  }
0x1c: {  	s2 =	sand.u32 $0x70, s29;
	s30 =	sshrl.u32 s30, $0x2  }
0x1d: {  	s30 =	sor.u32 s2, s30  }
0x1e: {  	[tilespmem:s30+$0x4F00] =	vst v0  }
0x1f: {  	[spmem:s7] =	stream.linear.scatter [tilespmem:s20], [sflag:$0x4], $0x2000, $0x38;
	[tilespmem:$0x1EF00] =	vst v63  }
0x20: {  	_ =	swait.ge [sflag:s21], $0x2000  }
0x21: {  	[sflag:s21] =	ssyncset.done $0x0  }
0x22: {  	[sflag:s21] =	ssyncadd.s32 $0xFFFFE000  }
0x23: {  	[spmem:s10] =	stream.linear.scatter [tilespmem:s20], [sflag:$0x4], $0x2000, $0x38;
	[tilespmem:$0x1EF00] =	vst v63  }
0x24: {  	_ =	swait.ge [sflag:s21], $0x2000  }
0x25: {  	[sflag:s21] =	ssyncset.done $0x0  }
0x26: {  	[sflag:s21] =	ssyncadd.s32 $0xFFFFE000  }
0x27: {  	[spmem:s11] =	stream.linear.scatter [tilespmem:s20], [sflag:$0x4], $0x2000, $0x38;
	[tilespmem:$0x1EF00] =	vst v63  }
0x28: {  	_ =	swait.ge [sflag:s21], $0x2000  }
0x29: {  	[sflag:s21] =	ssyncset.done $0x0  }
0x2a: {  	[sflag:s21] =	ssyncadd.s32 $0xFFFFE000  }
0x2b: {  	[spmem:s12] =	stream.linear.scatter [tilespmem:s20], [sflag:$0x4], $0x2000, $0x38;
	[tilespmem:$0x1EF00] =	vst v63  }
0x2c: {  	_ =	swait.ge [sflag:s21], $0x2000  }
0x2d: {  	[sflag:s21] =	ssyncset.done $0x0  }
0x2e: {  	[sflag:s21] =	ssyncadd.s32 $0xFFFFE000  }
0x2f: {  	[spmem:s13] =	stream.linear.scatter [tilespmem:s20], [sflag:$0x4], $0x2000, $0x38;
	[tilespmem:$0x1EF00] =	vst v63  }
0x30: {  	_ =	swait.ge [sflag:s21], $0x2000  }
0x31: {  	[sflag:s21] =	ssyncset.done $0x0  }
0x32: {  	[sflag:s21] =	ssyncadd.s32 $0xFFFFE000  }
0x33: {  	[spmem:s14] =	stream.linear.scatter [tilespmem:s20], [sflag:$0x4], $0x2000, $0x38;
	[tilespmem:$0x1EF00] =	vst v63  }
0x34: {  	_ =	swait.ge [sflag:s21], $0x2000  }
0x35: {  	[sflag:s21] =	ssyncset.done $0x0  }
0x36: {  	[sflag:s21] =	ssyncadd.s32 $0xFFFFE000  }
0x37: {  	[spmem:s15] =	stream.linear.scatter [tilespmem:s20], [sflag:$0x4], $0x2000, $0x38;
	[tilespmem:$0x1EF00] =	vst v63  }
0x38: {  	_ =	swait.ge [sflag:s21], $0x2000  }
0x39: {  	[sflag:s21] =	ssyncset.done $0x0  }
0x3a: {  	[sflag:s21] =	ssyncadd.s32 $0xFFFFE000  }
0x3b: {  	[spmem:s16] =	stream.linear.scatter [tilespmem:s20], [sflag:$0x4], $0x2000, $0x38;
	[tilespmem:$0x1EF00] =	vst v63  }
0x3c: {  	_ =	swait.ge [sflag:s21], $0x2000  }
0x3d: {  	[sflag:s21] =	ssyncset.done $0x0  }
0x3e: {  	[sflag:s21] =	ssyncadd.s32 $0xFFFFE000  }
0x3f: {  	[spmem:s17] =	stream.linear.scatter [tilespmem:s20], [sflag:$0x4], $0x2000, $0x38;
	[tilespmem:$0x1EF00] =	vst v63  }
0x40: {  	_ =	swait.ge [sflag:s21], $0x2000  }
0x41: {  	[sflag:s21] =	ssyncset.done $0x0  }
0x42: {  	[sflag:s21] =	ssyncadd.s32 $0xFFFFE000  }
0x43: {  	[spmem:s18] =	stream.linear.scatter [tilespmem:s20], [sflag:$0x4], $0x2000, $0x38;
	[tilespmem:$0x1EF00] =	vst v63  }
0x44: {  	_ =	swait.ge [sflag:s21], $0x2000  }
0x45: {  	[sflag:s21] =	ssyncset.done $0x0  }
0x46: {  	[sflag:s21] =	ssyncadd.s32 $0xFFFFE000  }
0x47: {  	_ =	swait.ge [sflag:s22], $0x2710  }
0x48: {  	[sflag:s22] =	ssyncset.done $0x0  }
0x49: {  	[sflag:s22] =	ssyncadd.s32 $0xFFFFD8F0  }
0x4a: {  	_ =	swait.ge [sflag:s22], $0x2710  }
0x4b: {  	[sflag:s22] =	ssyncset.done $0x0  }
0x4c: {  	s2 =	simm.s32 $0x0;
	[sflag:s22] =	ssyncadd.s32 $0xFFFFD8F0  }
0x4d: {  	[tilespmem:s20], [sflag:$0x2] =	stream.indirect.gather [hbm4b:s1+s23], $0x80, s2, s23, $0xb8;
	[tilespmem:$0x1EF00] =	vst v63  }
0x4e: {  	s0 =	simm.s32 $0x60;
	[bflag:$0x0] =	sbarrier.arrive $0xFFFF  }
0x4f: {  	[tilespmem:s24], [sflag:$0x3] =	stream.indirect.gather [hbm4b:s1+s23], $0x80, s0, s23, $0xb8;
	[tilespmem:$0x1EF00] =	vst v63  }
0x50: {  	_ =	swait.ge [sflag:s25], $0x3000  }
0x51: {  	[sflag:s25] =	ssyncset.done $0x0  }
0x52: {  	s30 =	simm.s32 $0x2780;
	[sflag:s25] =	ssyncadd.s32 $0xFFFFD000  }
0x53: {  	[spmem:s3] =	stream.indirect.scatter.add.f32 [tilespmem:s20], [sflag:$0x4], $0x80, s30, s23, $0xb8;
	[tilespmem:$0x1EF00] =	vst v63  }
0x54: {  	_ =	swait.ge [sflag:s21], $0x3000  }
0x55: {  	[sflag:s21] =	ssyncset.done $0x0  }
0x56: {  	s0 =	simm.s32 $0xC0;
	[sflag:s21] =	ssyncadd.s32 $0xFFFFD000  }
0x57: {  	[tilespmem:s20], [sflag:$0x2] =	stream.indirect.gather [hbm4b:s1+s23], $0x80, s0, s23, $0xb8;
	[tilespmem:$0x1EF00] =	vst v63  }
0x58: {  	_ =	swait.ge [sflag:s26], $0x3000  }
0x59: {  	[sflag:s26] =	ssyncset.done $0x0  }
0x5a: {  	s30 =	simm.s32 $0x27E0;
	[sflag:s26] =	ssyncadd.s32 $0xFFFFD000  }
0x5b: {  	[spmem:s3] =	stream.indirect.scatter.add.f32 [tilespmem:s24], [sflag:$0x4], $0x80, s30, s23, $0xb8;
	[tilespmem:$0x1EF00] =	vst v63  }
0x5c: {  	_ =	swait.ge [sflag:s21], $0x3000  }
0x5d: {  	s29 =	simm.s32 $0x600;
	s28 =	simm.s32 $0xC0;
	[sflag:s21] =	ssyncset.done $0x0  }
.LBB2_4:
0x5e: {  	s2 =	sadd.s32 $0x60, s28  }
0x5f: {  	[sflag:s21] =	ssyncadd.s32 $0xFFFFD000;
	s30 =	smov.u32 s29;
	s0 =	sadd.s32 $0x300, s29  }
0x60: {  	[tilespmem:s24], [sflag:$0x3] =	stream.indirect.gather [hbm4b:s1+s23], $0x80, s2, s23, $0xb8;
	[tilespmem:$0x1EF00] =	vst v63  }
0x61: {  	p0 =	sne.s32 s29, $0x9600;
	_ =	swait.ge [sflag:s25], $0x3000  }
0x62: {  	[sflag:s25] =	ssyncset.done $0x0  }
0x63: {  	s2 =	sadd.s32 $0x2780, s28;
	[sflag:s25] =	ssyncadd.s32 $0xFFFFD000  }
0x64: {  	[spmem:s3] =	stream.indirect.scatter.add.f32 [tilespmem:s20], [sflag:$0x4], $0x80, s2, s23, $0xb8;
	[tilespmem:$0x1EF00] =	vst v63  }
0x65: {  	_ =	swait.ge [sflag:s21], $0x3000  }
0x66: {  	[sflag:s21] =	ssyncset.done $0x0  }
0x67: {  	s2 =	sadd.s32 $0xC0, s28;
	[sflag:s21] =	ssyncadd.s32 $0xFFFFD000  }
0x68: {  	[tilespmem:s20], [sflag:$0x2] =	stream.indirect.gather [hbm4b:s1+s23], $0x80, s2, s23, $0xb8;
	[tilespmem:$0x1EF00] =	vst v63  }
0x69: {  	_ =	swait.ge [sflag:s26], $0x3000  }
.Ltmp1:
0x6a: {  	[sflag:s26] =	ssyncset.done $0x0;
	(pc) =	sbr.rel @p0 .LBB2_4-.Ltmp1, $4  }
0x6b: {  	s2 =	sadd.s32 $0x27E0, s28;
	[sflag:s26] =	ssyncadd.s32 $0xFFFFD000  }
0x6c: {  	[spmem:s3] =	stream.indirect.scatter.add.f32 [tilespmem:s24], [sflag:$0x4], $0x80, s2, s23, $0xb8;
	[tilespmem:$0x1EF00] =	vst v63  }
0x6d: {  	_ =	swait.ge [sflag:s21], $0x3000  }
0x6e: {  	s29 =	smov.u32 s0;
	s28 =	sshra.s32 s30, $0x2;
	[sflag:s21] =	ssyncset.done $0x0  }
0x6f: {  	s0 =	sadd.s32 $0x60, s28;
	[sflag:s21] =	ssyncadd.s32 $0xFFFFD000  }
0x70: {  	[tilespmem:s24], [sflag:$0x3] =	stream.indirect.gather [hbm4b:s1+s23], $0x80, s0, s23, $0xb8;
	[tilespmem:$0x1EF00] =	vst v63  }
0x71: {  	_ =	swait.ge [sflag:s25], $0x3000  }
0x72: {  	[sflag:s25] =	ssyncset.done $0x0  }
0x73: {  	s30 =	sadd.s32 $0x2780, s28;
	[sflag:s25] =	ssyncadd.s32 $0xFFFFD000  }
0x74: {  	[spmem:s3] =	stream.indirect.scatter.add.f32 [tilespmem:s20], [sflag:$0x4], $0x80, s30, s23, $0xb8;
	[tilespmem:$0x1EF00] =	vst v63  }
0x75: {  	_ =	swait.ge [sflag:s21], $0x3000  }
0x76: {  	[sflag:s21] =	ssyncset.done $0x0  }
0x77: {  	s2 =	sadd.s32 $0xC0, s28;
	[sflag:s21] =	ssyncadd.s32 $0xFFFFD000  }
0x78: {  	[tilespmem:s20], [sflag:$0x2] =	stream.indirect.gather [hbm4b:s1+s23], $0x80, s2, s23, $0xb8;
	[tilespmem:$0x1EF00] =	vst v63  }
0x79: {  	_ =	swait.ge [sflag:s26], $0x3000  }
0x7a: {  	[sflag:s26] =	ssyncset.done $0x0  }
0x7b: {  	s28 =	sadd.s32 $0x27E0, s28;
	[sflag:s26] =	ssyncadd.s32 $0xFFFFD000  }
0x7c: {  	[spmem:s3] =	stream.indirect.scatter.add.f32 [tilespmem:s24], [sflag:$0x4], $0x80, s28, s23, $0xb8;
	[tilespmem:$0x1EF00] =	vst v63  }
0x7d: {  	_ =	swait.ge [sflag:s21], $0x3000  }
0x7e: {  	[sflag:s21] =	ssyncset.done $0x0  }
0x7f: {  	s29 =	simm.s32 $0x26A0;
	[sflag:s21] =	ssyncadd.s32 $0xFFFFD000  }
0x80: {  	[tilespmem:s24], [sflag:$0x3] =	stream.indirect.gather [hbm4b:s1+s23], $0x80, s29, s23, $0xb8;
	[tilespmem:$0x1EF00] =	vst v63  }
0x81: {  	_ =	swait.ge [sflag:s25], $0x3000  }
0x82: {  	[sflag:s25] =	ssyncset.done $0x0  }
0x83: {  	s30 =	simm.s32 $0x4DC0;
	[sflag:s25] =	ssyncadd.s32 $0xFFFFD000  }
0x84: {  	[spmem:s3] =	stream.indirect.scatter.add.f32 [tilespmem:s20], [sflag:$0x4], $0x80, s30, s23, $0xb8;
	[tilespmem:$0x1EF00] =	vst v63  }
0x85: {  	_ =	swait.ge [sflag:s21], $0x3000  }
0x86: {  	[sflag:s21] =	ssyncset.done $0x0  }
0x87: {  	[sflag:s21] =	ssyncadd.s32 $0xFFFFD000  }
0x88: {  	_ =	swait.ge [sflag:s26], $0x3000  }
0x89: {  	[sflag:s26] =	ssyncset.done $0x0  }
0x8a: {  	s2 =	simm.s32 $0x4E20;
	[sflag:s26] =	ssyncadd.s32 $0xFFFFD000  }
0x8b: {  	[spmem:s3] =	stream.indirect.scatter.add.f32 [tilespmem:s24], [sflag:$0x4], $0x80, s2, s23, $0xb8;
	[tilespmem:$0x1EF00] =	vst v63  }
0x8c: {  	_ =	swait.ge [sflag:s21], $0x3000  }
0x8d: {  	[sflag:s21] =	ssyncset.done $0x0  }
0x8e: {  	s28 =	simm.s32 $0x2700;
	[sflag:s21] =	ssyncadd.s32 $0xFFFFD000  }
0x8f: {  	[tilespmem:s24], [sflag:$0x2] =	stream.indirect.gather [hbm4b:s1+s31], $0x80, s28, s31, $0xb8;
	[tilespmem:$0x1EF00] =	vst v63  }
0x90: {  	_ =	swait.ge [sflag:s25], $0x800  }
0x91: {  	[sflag:s25] =	ssyncset.done $0x0  }
0x92: {  	s29 =	simm.s32 $0x4E80;
	[sflag:s25] =	ssyncadd.s32 $0xFFFFF800  }
0x93: {  	[spmem:s3] =	stream.indirect.scatter.add.f32 [tilespmem:s24], [sflag:$0x4], $0x80, s29, s31, $0xb8;
	[tilespmem:$0x1EF00] =	vst v63  }
0x94: {  	s30 =	stileid.u32;
	_ =	swait.ge [sflag:s21], $0x800  }
0x95: {  	s19 =	sadd.s32 $0x1, s19;
	s0 =	sshll.u32 s30, $0x6;
	[sflag:s21] =	ssyncset.done $0x0  }
0x96: {  	p0 =	sne.s32 s19, s9;
	s0 =	sor.u32 $0x1C04, s0;
	[sflag:s21] =	ssyncadd.s32 $0xFFFFF800  }
.Ltmp2:
0x97: {  	s2 =	sshrl.u32 s7, $0x3;
	[bflag:$0x0] =	sbarrier.arrive $0xFFFF;
	(pc) =	sbr.rel @p0 .LBB2_1-.Ltmp2, $4  }
0x98: {  	[hbm:s8], [sflag:s0] =	dma.local [spmem:s2], $0x2800  }
0x99: {  	_ =	swait.ge [sflag:s21], $0x2800  }
0x9a: {  	[sflag:s21] =	ssyncset.done $0x0  }
0x9b: {  	[sflag:s21] =	ssyncadd.s32 $0xFFFFD800  }
0x9c: {  	_ =	sfence.sel $0x180000  }
0x9d: {  	[bflag:$0x0] =	sbarrier.arrive $0xFFFF  }
0x9e: {  	_ =	strace $0x9000004A  }
0x9f: {  	s0 =	stileid.u32;
	[bflag:$0x2] =	sbarrier.arrive $0xFFFF  }
0xa0: {  	p0 =	sne.s32 s0, $0x0;
	s0 =	rddreg [dreg:$0x3]  }
0xa1: {  	s0 =	sadd.s32 @!p0 $0x100000, s0  }
0xa2: {  	[sflag:s0] =	ssyncadd.tile.s32 @!p0 $0x1;
	_ =	shalt  }
.Lfunc_end2:
_tile_overlayer_lowered:
.L_overlay_start_2:
0xa3: {  	(tag) =	ssettag $0x2  }
0xa4: {  	s0 =	rddreg [dreg:$0x0];
	s2 =	stileid.u32  }
0xa5: {  	s1 =	rddreg [dreg:$0x1];
	p0 =	sne.s32 s2, $0x0  }
0xa6: {  	s3 =	rddreg [dreg:$0x2];
	[bflag:$0x3] =	sbarrier.arrive $0xFFFF;
	s2 =	simm.s32 @!p0 $0x1C04  }
0xa7: {  	[timem:s3], [sflag:s2] =	dma.local @!p0 [hbm:s0], s1  }
0xa8: {  	s0 =	simm.s32 @!p0 $0x4  }
0xa9: {  	_ =	swait.ge @!p0 [sflag:s0], s1  }
0xaa: {  	s1 =	ssub.s32 @!p0 $0x0, s1;
	[sflag:s0] =	ssyncset.done @!p0 $0x0  }
0xab: {  	[sflag:s0] =	ssyncadd.s32 @!p0 s1  }
0xac: {  	[bflag:$0x3] =	sbarrier.arrive $0xFFFF  }
0xad: {  	_ =	shalt  }

</sc_bundles>
